<compile_context>
chip_gen: v7x
topology: tpu7x:2x2x1
jax: 0.10.2.dev20260603
libtpu: 0.0.44.dev20260713+nightly
codegen_flags: <defaults>
</compile_context>

<pallas_src>
import functools

import jax
import jax.numpy as jnp
from jax import lax
from jax.experimental import pallas as pl
from jax.experimental.pallas import tpu as pltpu
from jax.experimental.pallas import tpu_sc as plsc

_f32 = jnp.float32
_i32 = jnp.int32

NC = 2
NS = 16
NW = NC * NS
L = 16

H = 4
C = 32
G = 512

_DNUMS = lax.GatherDimensionNumbers(
    offset_dims=(), collapsed_slice_dims=(0,), start_index_map=(0,))


def _lane_shuffle(v, idx):
    return lax.gather(v, idx[:, None], _DNUMS, slice_sizes=(1,),
                      mode=lax.GatherScatterMode.PROMISE_IN_BOUNDS)


def _shift4(v):
    io = lax.iota(_i32, L)
    return _lane_shuffle(v, jnp.minimum(io + 4, 8))


def _splat(v, lane):
    return _lane_shuffle(v, lax.iota(_i32, L) * 0 + lane)


def _mesh():
    return plsc.VectorSubcoreMesh(core_axis_name="c", subcore_axis_name="s")


_SC_PARAMS = pltpu.CompilerParams(use_tc_tiling_on_sc=False)


def _zero_vmem(ref, rows, width):
    z = jnp.zeros((L,), _f32)

    @plsc.parallel_loop(0, rows, unroll=4)
    def _(r):
        for kk in range(width // L):
            ref[r, pl.ds(kk * L, L)] = z


@functools.partial(jax.jit, static_argnames=("np_pad", "k"))
def _pass0(idx, tlo, thi, ta, *, np_pad, k):
    nchunks = np_pad // k

    @functools.partial(
        pl.kernel,
        out_type=(jax.ShapeDtypeStruct((np_pad, 64), _f32),
                  jax.ShapeDtypeStruct((np_pad, 64), _f32),
                  jax.ShapeDtypeStruct((np_pad, 16), _f32)),
        mesh=_mesh(),
        compiler_params=_SC_PARAMS,
        scratch_types=[
            pltpu.VMEM((2, k), _i32),
            pltpu.VMEM((2, k, 64), _f32),
            pltpu.VMEM((2, k, 64), _f32),
            pltpu.VMEM((2, k, 16), _f32),
            pltpu.SemaphoreType.DMA,
            pltpu.SemaphoreType.DMA,
        ],
    )
    def kfn(idx_hbm, tlo_hbm, thi_hbm, ta_hbm, lo_out, hi_out, a_out,
            idx_v, lo_v, hi_v, a_v, sg0, sg1):
        w = lax.axis_index("s") * NC + lax.axis_index("c")
        trips = (nchunks - w + NW - 1) // NW
        sgs = (sg0, sg1)

        def prep(ci, b):
            base = (w + ci * NW) * k
            pltpu.sync_copy(idx_hbm.at[pl.ds(base, k)], idx_v.at[b])
            pltpu.async_copy(tlo_hbm.at[idx_v.at[b]], lo_v.at[b], sgs[b])
            pltpu.async_copy(thi_hbm.at[idx_v.at[b]], hi_v.at[b], sgs[b])
            pltpu.async_copy(ta_hbm.at[idx_v.at[b]], a_v.at[b], sgs[b])

        def wait_gathers(b):
            pltpu.make_async_copy(
                tlo_hbm.at[idx_v.at[b]], lo_v.at[b], sgs[b]).wait()
            pltpu.make_async_copy(
                thi_hbm.at[idx_v.at[b]], hi_v.at[b], sgs[b]).wait()
            pltpu.make_async_copy(
                ta_hbm.at[idx_v.at[b]], a_v.at[b], sgs[b]).wait()

        @pl.when(trips > 0)
        def _():
            prep(0, 0)

        def body(p, _):
            for b in range(2):
                ci = 2 * p + b

                @pl.when(ci < trips)
                def _():
                    @pl.when(ci + 1 < trips)
                    def _():
                        prep(ci + 1, 1 - b)

                    wait_gathers(b)
                    base = (w + ci * NW) * k
                    pltpu.sync_copy(lo_v.at[b], lo_out.at[pl.ds(base, k)])
                    pltpu.sync_copy(hi_v.at[b], hi_out.at[pl.ds(base, k)])
                    pltpu.sync_copy(a_v.at[b], a_out.at[pl.ds(base, k)])
            return 0

        lax.fori_loop(0, (trips + 1) // 2, body, 0)

    return kfn(idx, tlo, thi, ta)


@functools.partial(jax.jit, static_argnames=("n", "n_pad", "k"))
def _pass1(src, dst, a_tab, mvec, *, n, n_pad, k):
    e_tot = src.shape[0]
    nchunks = e_tot // k
    rpt = n // NS
    zr = 625
    assert rpt % zr == 0

    @functools.partial(
        pl.kernel,
        out_type=jax.ShapeDtypeStruct((NC, n_pad, 16), _f32),
        mesh=_mesh(),
        compiler_params=_SC_PARAMS,
        scratch_types=[
            pltpu.VMEM((2, k), _i32),
            pltpu.VMEM((2, k), _i32),
            pltpu.VMEM((2, k), _i32),
            pltpu.VMEM((2, k, 16), _f32),
            pltpu.VMEM((2, k, 16), _f32),
            pltpu.VMEM((2, k, 16), _f32),
            pltpu.VMEM((zr, 16), _f32),
            pltpu.VMEM((L,), _f32),
            pltpu.VMEM_SHARED((n, 16), _f32),
            pltpu.SemaphoreType.DMA,
            pltpu.SemaphoreType.DMA,
            pltpu.SemaphoreType.DMA,
            pltpu.SemaphoreType.DMA,
        ],
    )
    def kfn(src_hbm, dst_hbm, a_hbm, m_hbm, den_out,
            src_v, dst_v, dsc_v, va_v, vb_v, t_v, z_v, m_v, den_sh,
            sg0, sg1, ss0, ss1):
        c = lax.axis_index("c")
        s = lax.axis_index("s")
        w = s * NC + c
        sgs = (sg0, sg1)
        sss = (ss0, ss1)
        _zero_vmem(z_v, zr, 16)
        for j in range(rpt // zr):
            pltpu.sync_copy(z_v, den_sh.at[pl.ds(s * rpt + j * zr, zr)])
        pltpu.sync_copy(m_hbm, m_v)
        mv = m_v[...]
        plsc.subcore_barrier()
        trips = (nchunks - w + NW - 1) // NW

        def load_idx(ci, b):
            base = (w + ci * NW) * k
            pltpu.sync_copy(src_hbm.at[pl.ds(base, k)], src_v.at[b])
            pltpu.sync_copy(dst_hbm.at[pl.ds(base, k)], dst_v.at[b])

        def issue_gathers(b):
            pltpu.async_copy(a_hbm.at[src_v.at[b]], va_v.at[b], sgs[b])
            pltpu.async_copy(a_hbm.at[dst_v.at[b]], vb_v.at[b], sgs[b])

        def wait_gathers(b):
            pltpu.make_async_copy(
                a_hbm.at[src_v.at[b]], va_v.at[b], sgs[b]).wait()
            pltpu.make_async_copy(
                a_hbm.at[dst_v.at[b]], vb_v.at[b], sgs[b]).wait()

        def issue_scatter(b):
            pltpu.async_copy(t_v.at[b], den_sh.at[dsc_v.at[b]], sss[b],
                             add=True)

        def wait_scatter(b):
            pltpu.make_async_copy(
                t_v.at[b], den_sh.at[dsc_v.at[b]], sss[b]).wait()

        def compute(b):
            @plsc.parallel_loop(0, k // L, unroll=2)
            def _(r):
                dsc_v[b, pl.ds(r * L, L)] = dst_v[b, pl.ds(r * L, L)]

            @plsc.parallel_loop(0, k, unroll=8)
            def _(e):
                va = va_v[b, e, :]
                vb = vb_v[b, e, :]
                ev = va + _shift4(vb)
                lr = jnp.maximum(ev, 0.2 * ev)
                t_v[b, e, :] = jnp.exp(lr - mv)

        @pl.when(trips > 0)
        def _():
            load_idx(0, 0)
            issue_gathers(0)

        def body(p, _):
            for b in range(2):
                ci = 2 * p + b

                @pl.when(ci < trips)
                def _():
                    @pl.when(ci + 1 < trips)
                    def _():
                        load_idx(ci + 1, 1 - b)
                        issue_gathers(1 - b)

                    wait_gathers(b)

                    @pl.when(ci >= 2)
                    def _():
                        wait_scatter(b)

                    compute(b)
                    issue_scatter(b)
            return 0

        lax.fori_loop(0, (trips + 1) // 2, body, 0)

        def wait_scatter_dyn(j):
            @pl.when(j >= 0)
            def _():
                @pl.when(lax.rem(j, 2) == 0)
                def _():
                    wait_scatter(0)

                @pl.when(lax.rem(j, 2) == 1)
                def _():
                    wait_scatter(1)

        wait_scatter_dyn(trips - 1)
        wait_scatter_dyn(trips - 2)
        plsc.subcore_barrier()
        for j in range(rpt // zr):
            off = s * rpt + j * zr
            pltpu.sync_copy(den_sh.at[pl.ds(off, zr)],
                            den_out.at[c, pl.ds(off, zr)])

    return kfn(src, dst, a_tab, mvec)


@functools.partial(jax.jit, static_argnames=("k",))
def _combine(den, a_tab, *, k):
    n_pad = a_tab.shape[0]
    nchunks = n_pad // k

    @functools.partial(
        pl.kernel,
        out_type=jax.ShapeDtypeStruct((n_pad, 16), _f32),
        mesh=_mesh(),
        compiler_params=_SC_PARAMS,
        scratch_types=[
            pltpu.VMEM((k, 16), _f32),
            pltpu.VMEM((k, 16), _f32),
            pltpu.VMEM((k, 16), _f32),
            pltpu.VMEM((k, 16), _f32),
        ],
    )
    def kfn(den_hbm, a_hbm, d_out, d0_v, d1_v, a_v, o_v):
        w = lax.axis_index("s") * NC + lax.axis_index("c")
        trips = (nchunks - w + NW - 1) // NW
        io = lax.iota(_i32, L)
        iof = io.astype(_f32)
        m47 = jnp.maximum(
            0.0, jnp.minimum(1.0, jnp.minimum(iof - 3.0, 8.0 - iof)))
        sh_r = jnp.maximum(io - 4, 0)

        def body(i, _):
            base = (w + i * NW) * k
            pltpu.sync_copy(den_hbm.at[0, pl.ds(base, k)], d0_v)
            pltpu.sync_copy(den_hbm.at[1, pl.ds(base, k)], d1_v)
            pltpu.sync_copy(a_hbm.at[pl.ds(base, k)], a_v)

            @plsc.parallel_loop(0, k, unroll=4)
            def _(r):
                sm = d0_v[r, :] + d1_v[r, :] + 1e-16
                rr = 1.0 / sm
                rsh = _lane_shuffle(rr, sh_r)
                o_v[r, :] = _shift4(a_v[r, :]) + rsh * m47

            pltpu.sync_copy(o_v, d_out.at[pl.ds(base, k)])
            return 0

        lax.fori_loop(0, trips, body, 0)

    return kfn(den, a_tab)


@functools.partial(jax.jit, static_argnames=("n", "n_pad", "k"))
def _pass2h(src, dst, a_tab, d_tab, hwh, mvec, *, n, n_pad, k):
    e_tot = src.shape[0]
    nchunks = e_tot // k
    rpt = n // NS
    zr = 625
    assert rpt % zr == 0

    @functools.partial(
        pl.kernel,
        out_type=jax.ShapeDtypeStruct((NC, n_pad, 16), _f32),
        mesh=_mesh(),
        compiler_params=_SC_PARAMS,
        scratch_types=[
            pltpu.VMEM((2, k), _i32),
            pltpu.VMEM((2, k), _i32),
            pltpu.VMEM((2, k), _i32),
            pltpu.VMEM((2, k, 16), _f32),
            pltpu.VMEM((2, k, 16), _f32),
            pltpu.VMEM((2, k, 64), _f32),
            pltpu.VMEM((2, k, 16), _f32),
            pltpu.VMEM((zr, 16), _f32),
            pltpu.VMEM((L,), _f32),
            pltpu.VMEM_SHARED((n, 16), _f32),
            pltpu.SemaphoreType.DMA,
            pltpu.SemaphoreType.DMA,
            pltpu.SemaphoreType.DMA,
            pltpu.SemaphoreType.DMA,
        ],
    )
    def kfn(src_hbm, dst_hbm, a_hbm, d_hbm, hw_hbm, m_hbm, out_hbm,
            src_v, dst_v, dsc_v, va_v, vd_v, hw_v, c_v, z_v, m_v, acc_sh,
            sg0, sg1, ss0, ss1):
        c = lax.axis_index("c")
        s = lax.axis_index("s")
        w = s * NC + c
        sgs = (sg0, sg1)
        sss = (ss0, ss1)
        _zero_vmem(z_v, zr, 16)
        for j in range(rpt // zr):
            pltpu.sync_copy(z_v, acc_sh.at[pl.ds(s * rpt + j * zr, zr)])
        pltpu.sync_copy(m_hbm, m_v)
        mv = m_v[...]
        plsc.subcore_barrier()
        trips = (nchunks - w + NW - 1) // NW

        def load_idx(ci, b):
            base = (w + ci * NW) * k
            pltpu.sync_copy(src_hbm.at[pl.ds(base, k)], src_v.at[b])
            pltpu.sync_copy(dst_hbm.at[pl.ds(base, k)], dst_v.at[b])

        def issue_gathers(b):
            pltpu.async_copy(a_hbm.at[src_v.at[b]], va_v.at[b], sgs[b])
            pltpu.async_copy(d_hbm.at[dst_v.at[b]], vd_v.at[b], sgs[b])
            pltpu.async_copy(hw_hbm.at[src_v.at[b]], hw_v.at[b], sgs[b])

        def wait_gathers(b):
            pltpu.make_async_copy(
                a_hbm.at[src_v.at[b]], va_v.at[b], sgs[b]).wait()
            pltpu.make_async_copy(
                d_hbm.at[dst_v.at[b]], vd_v.at[b], sgs[b]).wait()
            pltpu.make_async_copy(
                hw_hbm.at[src_v.at[b]], hw_v.at[b], sgs[b]).wait()

        def issue_scatter(b):
            pltpu.async_copy(c_v.at[b], acc_sh.at[dsc_v.at[b]], sss[b],
                             add=True)

        def wait_scatter(b):
            pltpu.make_async_copy(
                c_v.at[b], acc_sh.at[dsc_v.at[b]], sss[b]).wait()

        def compute(b):
            @plsc.parallel_loop(0, k // L, unroll=2)
            def _(r):
                dsc_v[b, pl.ds(r * L, L)] = dst_v[b, pl.ds(r * L, L)]

            @plsc.parallel_loop(0, k, unroll=4)
            def _(e):
                va = va_v[b, e, :]
                vd = vd_v[b, e, :]
                ev = va + vd
                lr = jnp.maximum(ev, 0.2 * ev)
                t = jnp.exp(lr - mv)
                alpha = t * _shift4(vd)
                acc = _splat(alpha, 0) * hw_v[b, e, pl.ds(0, L)]
                for h in range(1, H):
                    acc = acc + _splat(alpha, h) * hw_v[b, e, pl.ds(h * L, L)]
                c_v[b, e, :] = acc

        @pl.when(trips > 0)
        def _():
            load_idx(0, 0)
            issue_gathers(0)

        def body(p, _):
            for b in range(2):
                ci = 2 * p + b

                @pl.when(ci < trips)
                def _():
                    @pl.when(ci + 1 < trips)
                    def _():
                        load_idx(ci + 1, 1 - b)
                        issue_gathers(1 - b)

                    wait_gathers(b)

                    @pl.when(ci >= 2)
                    def _():
                        wait_scatter(b)

                    compute(b)
                    issue_scatter(b)
            return 0

        lax.fori_loop(0, (trips + 1) // 2, body, 0)

        def wait_scatter_dyn(j):
            @pl.when(j >= 0)
            def _():
                @pl.when(lax.rem(j, 2) == 0)
                def _():
                    wait_scatter(0)

                @pl.when(lax.rem(j, 2) == 1)
                def _():
                    wait_scatter(1)

        wait_scatter_dyn(trips - 1)
        wait_scatter_dyn(trips - 2)
        plsc.subcore_barrier()
        for j in range(rpt // zr):
            off = s * rpt + j * zr
            pltpu.sync_copy(acc_sh.at[pl.ds(off, zr)],
                            out_hbm.at[c, pl.ds(off, zr)])

    return kfn(src, dst, a_tab, d_tab, hwh, mvec)


@functools.partial(jax.jit, static_argnames=("n", "k"))
def _pool(s2lo, s2hi, batch, b1, *, n, k):
    n_pad = batch.shape[0]
    nchunks = n_pad // k
    rpt = G // NS

    @functools.partial(
        pl.kernel,
        out_type=jax.ShapeDtypeStruct((NC, G, 32), _f32),
        mesh=_mesh(),
        compiler_params=_SC_PARAMS,
        scratch_types=[
            pltpu.VMEM((k,), _i32),
            pltpu.VMEM((k, 16), _f32),
            pltpu.VMEM((k, 16), _f32),
            pltpu.VMEM((k, 16), _f32),
            pltpu.VMEM((k, 16), _f32),
            pltpu.VMEM((k, 32), _f32),
            pltpu.VMEM((rpt, 32), _f32),
            pltpu.VMEM((32,), _f32),
            pltpu.VMEM_SHARED((G, 32), _f32),
        ],
    )
    def kfn(lo_hbm, hi_hbm, bat_hbm, b1_hbm, out_hbm,
            bat_v, l0_v, l1_v, h0_v, h1_v, h_v, z_v, b_v, acc_sh):
        c = lax.axis_index("c")
        s = lax.axis_index("s")
        w = s * NC + c
        _zero_vmem(z_v, rpt, 32)
        pltpu.sync_copy(z_v, acc_sh.at[pl.ds(s * rpt, rpt)])
        pltpu.sync_copy(b1_hbm, b_v)
        blo = b_v[pl.ds(0, L)]
        bhi = b_v[pl.ds(L, L)]
        plsc.subcore_barrier()
        trips = (nchunks - w + NW - 1) // NW
        inv_h = _f32(1.0 / H)

        def body(i, _):
            base = (w + i * NW) * k
            pltpu.sync_copy(bat_hbm.at[pl.ds(base, k)], bat_v)
            pltpu.sync_copy(lo_hbm.at[0, pl.ds(base, k)], l0_v)
            pltpu.sync_copy(lo_hbm.at[1, pl.ds(base, k)], l1_v)
            pltpu.sync_copy(hi_hbm.at[0, pl.ds(base, k)], h0_v)
            pltpu.sync_copy(hi_hbm.at[1, pl.ds(base, k)], h1_v)

            @plsc.parallel_loop(0, k, unroll=4)
            def _(r):
                valid = jnp.where(base + r < n, _f32(1.0), _f32(0.0))
                lo = (l0_v[r, :] + l1_v[r, :]) * inv_h
                hi = (h0_v[r, :] + h1_v[r, :]) * inv_h
                lo = jnp.maximum(lo + blo, 0.0)
                hi = jnp.maximum(hi + bhi, 0.0)
                h_v[r, pl.ds(0, L)] = lo * valid
                h_v[r, pl.ds(L, L)] = hi * valid
            pltpu.sync_copy(h_v, acc_sh.at[bat_v], add=True)
            return 0

        lax.fori_loop(0, trips, body, 0)
        plsc.subcore_barrier()
        pltpu.sync_copy(acc_sh.at[pl.ds(s * rpt, rpt)],
                        out_hbm.at[c, pl.ds(s * rpt, rpt)])

    return kfn(s2lo, s2hi, batch, b1)


def _tc_layer(slo, shi, b0r, w1lo, w1hi, amlo, amhi, *, n, n_pad, bn=1000):
    def body(sl0_ref, sl1_ref, sh0_ref, sh1_ref, b_ref, wl_ref, wh_ref,
             al_ref, ah_ref, lo_ref, hi_ref, a_ref, mx_ref):
        hmean = jnp.concatenate(
            [sl0_ref[0] + sl1_ref[0], sh0_ref[0] + sh1_ref[0]],
            axis=1) * _f32(1.0 / H)
        h = jnp.maximum(hmean + b_ref[...], 0.0)
        hwlo = jnp.dot(h, wl_ref[...], preferred_element_type=_f32)
        hwhi = jnp.dot(h, wh_ref[...], preferred_element_type=_f32)
        a1 = (jnp.dot(hwlo, al_ref[...], preferred_element_type=_f32)
              + jnp.dot(hwhi, ah_ref[...], preferred_element_type=_f32))
        lo_ref[...] = hwlo
        hi_ref[...] = hwhi
        a_ref[...] = a1
        bm = jnp.broadcast_to(jnp.max(a1, axis=0, keepdims=True), (8, 16))
        i = pl.program_id(0)

        @pl.when(i == 0)
        def _():
            mx_ref[...] = bm

        @pl.when(i > 0)
        def _():
            mx_ref[...] = jnp.maximum(mx_ref[...], bm)

    return pl.pallas_call(
        body,
        grid=(n // bn,),
        in_specs=[
            pl.BlockSpec((1, bn, 16), lambda i: (0, i, 0)),
            pl.BlockSpec((1, bn, 16), lambda i: (1, i, 0)),
            pl.BlockSpec((1, bn, 16), lambda i: (0, i, 0)),
            pl.BlockSpec((1, bn, 16), lambda i: (1, i, 0)),
            pl.BlockSpec((1, 32), lambda i: (0, 0)),
            pl.BlockSpec((32, 64), lambda i: (0, 0)),
            pl.BlockSpec((32, 64), lambda i: (0, 0)),
            pl.BlockSpec((64, 16), lambda i: (0, 0)),
            pl.BlockSpec((64, 16), lambda i: (0, 0)),
        ],
        out_specs=[
            pl.BlockSpec((bn, 64), lambda i: (i, 0)),
            pl.BlockSpec((bn, 64), lambda i: (i, 0)),
            pl.BlockSpec((bn, 16), lambda i: (i, 0)),
            pl.BlockSpec((8, 16), lambda i: (0, 0)),
        ],
        out_shape=[
            jax.ShapeDtypeStruct((n, 64), _f32),
            jax.ShapeDtypeStruct((n, 64), _f32),
            jax.ShapeDtypeStruct((n_pad, 16), _f32),
            jax.ShapeDtypeStruct((8, 16), _f32),
        ],
    )(slo, slo, shi, shi, b0r, w1lo, w1hi, amlo, amhi)


def _tc_final(p0, p1, w_out, b_out_r):
    out = w_out.shape[1]

    def body(p0_ref, p1_ref, w_ref, b_ref, y_ref):
        g = p0_ref[...] + p1_ref[...]
        y_ref[...] = jnp.dot(g, w_ref[...],
                             preferred_element_type=_f32) + b_ref[...]

    return pl.pallas_call(
        body,
        out_shape=jax.ShapeDtypeStruct((G, out), _f32),
    )(p0, p1, w_out, b_out_r)


def _head_tables(thw, a_src, a_dst):
    r = thw.shape[0]
    t3 = thw.reshape(r, H, C)
    as_t = jnp.einsum("nhc,hc->nh", t3, a_src)
    ad_t = jnp.einsum("nhc,hc->nh", t3, a_dst)
    a_tab = jnp.concatenate([as_t, ad_t, jnp.zeros((r, 8), _f32)], axis=1)
    return as_t, ad_t, a_tab


def _mvec(mx_as, mx_ad):
    m = jnp.maximum(mx_as + mx_ad, 0.0)
    return jnp.tile(m, 4)


def _amat_half(a_src_h, a_dst_h):
    hs = jnp.arange(H)
    src_m = jnp.zeros((H, L, H), _f32).at[hs, :, hs].set(a_src_h)
    dst_m = jnp.zeros((H, L, H), _f32).at[hs, :, hs].set(a_dst_h)
    return jnp.concatenate(
        [src_m.reshape(H * L, H), dst_m.reshape(H * L, H),
         jnp.zeros((H * L, 8), _f32)], axis=1)


def _half_cols(w):
    w3 = w.reshape(C, H, C)
    return (w3[:, :, :L].reshape(C, H * L), w3[:, :, L:].reshape(C, H * L))


def kernel(x, edge_index, batch, emb, W0, W1, a_src0, a_src1, a_dst0,
           a_dst1, b0, b1, W_out, b_out):
    n = x.shape[0]
    k = 128
    n_pad = ((n + k - 1) // k) * k

    idx = x[:, 0].astype(_i32)
    idx_pad = jnp.concatenate([idx, jnp.zeros((n_pad - n,), _i32)])
    src = edge_index[0]
    dst = edge_index[1]
    batch_pad = jnp.concatenate([batch, jnp.zeros((n_pad - n,), _i32)])

    thw0 = jnp.dot(emb, W0, preferred_element_type=_f32)
    tlo0, thi0 = _half_cols(W0)
    tlo0 = jnp.dot(emb, tlo0, preferred_element_type=_f32)
    thi0 = jnp.dot(emb, thi0, preferred_element_type=_f32)
    as0, ad0, ta0 = _head_tables(thw0, a_src0, a_dst0)
    mv0 = _mvec(jnp.max(as0, axis=0), jnp.max(ad0, axis=0))

    hw0lo, hw0hi, a0 = _pass0(idx_pad, tlo0, thi0, ta0, np_pad=n_pad, k=k)
    den1 = _pass1(src, dst, a0, mv0, n=n, n_pad=n_pad, k=k)
    d1 = _combine(den1, a0, k=k)
    s1lo = _pass2h(src, dst, a0, d1, hw0lo, mv0, n=n, n_pad=n_pad, k=k)
    s1hi = _pass2h(src, dst, a0, d1, hw0hi, mv0, n=n, n_pad=n_pad, k=k)

    w1lo, w1hi = _half_cols(W1)
    amlo = _amat_half(a_src1[:, :L], a_dst1[:, :L])
    amhi = _amat_half(a_src1[:, L:], a_dst1[:, L:])
    hw1lo, hw1hi, a1, mx = _tc_layer(
        s1lo, s1hi, b0.reshape(1, C), w1lo, w1hi, amlo, amhi,
        n=n, n_pad=n_pad, bn=1000)
    mv1 = _mvec(mx[0, 0:4], mx[0, 4:8])

    den2 = _pass1(src, dst, a1, mv1, n=n, n_pad=n_pad, k=k)
    d2 = _combine(den2, a1, k=k)
    s2lo = _pass2h(src, dst, a1, d2, hw1lo, mv1, n=n, n_pad=n_pad, k=k)
    s2hi = _pass2h(src, dst, a1, d2, hw1hi, mv1, n=n, n_pad=n_pad, k=k)

    pooled = _pool(s2lo, s2hi, batch_pad, b1, n=n, k=k)
    return _tc_final(pooled[0], pooled[1], W_out, b_out.reshape(1, -1))

# --- scband reference (transcript-rebuilt; emitter-appended) ---
"""Pipeline reference for scband-qm9-graph-reg-gat-12962211299661 (READ-ONLY COPY).

The authoritative reference and input builder live on the scoring server;
editing this copy changes nothing except your own understanding.
"""

import jax, jax.numpy as jnp
import numpy as np

N = 50000
E = 800000
H = 4
C = 32
G = 512
OUT = 19


def setup_inputs(seed: int = 0) -> dict:
    key = jax.random.key(seed)
    ks = jax.random.split(key, 12)
    x = jax.random.randint(ks[0], (N, 11), 0, 100).astype(jnp.float32)
    edge_index = jax.random.randint(ks[1], (2, E), 0, N, dtype=jnp.int32)
    batch = jnp.sort(jax.random.randint(ks[2], (N,), 0, G, dtype=jnp.int32))
    emb = jax.random.normal(ks[3], (100, C), dtype=jnp.float32) * 0.1
    W0 = jax.random.normal(ks[4], (C, H * C), dtype=jnp.float32) / np.sqrt(C)
    W1 = jax.random.normal(ks[5], (C, H * C), dtype=jnp.float32) / np.sqrt(C)
    a_src0 = jax.random.normal(ks[6], (H, C), dtype=jnp.float32) * 0.1
    a_src1 = jax.random.normal(ks[7], (H, C), dtype=jnp.float32) * 0.1
    a_dst0 = jax.random.normal(ks[8], (H, C), dtype=jnp.float32) * 0.1
    a_dst1 = jax.random.normal(ks[9], (H, C), dtype=jnp.float32) * 0.1
    b0 = jnp.zeros((C,), dtype=jnp.float32)
    b1 = jnp.zeros((C,), dtype=jnp.float32)
    W_out = jax.random.normal(ks[10], (C, OUT), dtype=jnp.float32) / np.sqrt(C)
    b_out = jnp.zeros((OUT,), dtype=jnp.float32)
    return {"x": x, "edge_index": edge_index, "batch": batch, "emb": emb,
            "W0": W0, "W1": W1, "a_src0": a_src0, "a_src1": a_src1,
            "a_dst0": a_dst0, "a_dst1": a_dst1, "b0": b0, "b1": b1,
            "W_out": W_out, "b_out": b_out}


def _gat_layer(h, edge_index, W, a_src, a_dst, b):
    # PyG GATConv, concat=False (head-mean), eval mode (no dropout)
    src = edge_index[0]
    dst = edge_index[1]
    hw = (h @ W).reshape(-1, H, C)
    alpha_src = jnp.sum(hw * a_src[None, :, :], axis=-1)  # [N, H]
    alpha_dst = jnp.sum(hw * a_dst[None, :, :], axis=-1)  # [N, H]
    e = alpha_src[src] + alpha_dst[dst]                   # [E, H]
    e = jax.nn.leaky_relu(e, 0.2)
    m = jax.ops.segment_max(e, dst, num_segments=N)
    m = jnp.where(jnp.isfinite(m), m, 0.0)
    m = jax.lax.stop_gradient(m)  # softmax shift-invariance
    ex = jnp.exp(e - m[dst])
    denom = jax.ops.segment_sum(ex, dst, num_segments=N)
    alpha = ex / (denom[dst] + 1e-16)                     # softmax over incoming edges per dst
    msg = hw[src] * alpha[:, :, None]                     # [E, H, C]
    out = jax.ops.segment_sum(msg, dst, num_segments=N)   # [N, H, C]
    return out.mean(axis=1) + b                           # concat=False -> mean over heads


def reference(x, edge_index, batch, emb, W0, W1, a_src0, a_src1, a_dst0, a_dst1, b0, b1, W_out, b_out):
    idx = jax.lax.stop_gradient(x[:, 0]).astype(jnp.int32)
    h = emb[idx]
    h = jax.nn.relu(_gat_layer(h, edge_index, W0, a_src0, a_dst0, b0))
    h = jax.nn.relu(_gat_layer(h, edge_index, W1, a_src1, a_dst1, b1))
    g = jax.ops.segment_sum(h, batch, num_segments=G)     # global_add_pool
    return g @ W_out + b_out

if __name__ == "__main__":
    import jax
    _d = setup_inputs()
    print(jax.jit(kernel)(*tuple(_d.values())))

</pallas_src>

<mosaic_0001>
#map = affine_map<(d0, d1) -> (0)>
#map1 = affine_map<(d0, d1) -> (0, 0)>
module attributes {stable_mosaic.version = 14 : i64} {
  func.func @kfn(%arg0: i32, %arg1: i32, %arg2: memref<50048xi32, #tpu.memory_space<hbm>>, %arg3: memref<100x64xf32, #tpu.memory_space<hbm>>, %arg4: memref<100x64xf32, #tpu.memory_space<hbm>>, %arg5: memref<100x16xf32, #tpu.memory_space<hbm>>, %arg6: memref<50048x64xf32, #tpu.memory_space<hbm>>, %arg7: memref<50048x64xf32, #tpu.memory_space<hbm>>, %arg8: memref<50048x16xf32, #tpu.memory_space<hbm>>, %arg9: memref<2x128xi32, #tpu.memory_space<vmem>>, %arg10: memref<2x128x64xf32, #tpu.memory_space<vmem>>, %arg11: memref<2x128x64xf32, #tpu.memory_space<vmem>>, %arg12: memref<2x128x16xf32, #tpu.memory_space<vmem>>, %arg13: memref<!tpu.dma_semaphore, #tpu.memory_space<semaphore_mem>>, %arg14: memref<!tpu.dma_semaphore, #tpu.memory_space<semaphore_mem>>) attributes {dimension_semantics = [#tpu.dimension_semantics<core_parallel>, #tpu.dimension_semantics<subcore_parallel>], iteration_bounds = array<i64: 2, 16>, scalar_prefetch = 0 : i64, scratch_operands = 6 : i64, tpu.core_type = #tpu.core_type<sc_vector_subcore>, window_params = [{transform_indices = #map}, {transform_indices = #map1}, {transform_indices = #map1}, {transform_indices = #map1}, {transform_indices = #map1}, {transform_indices = #map1}, {transform_indices = #map1}]} {
    %mul3A = arith.constant 2 : i32
    %mul3A_0 = arith.muli %arg1, %mul3A : i32
    %add3A = arith.addi %mul3A_0, %arg0 : i32
    %sub3A = arith.constant 391 : i32
    %sub3A_1 = arith.subi %sub3A, %add3A : i32
    %add3A_2 = arith.constant 32 : i32
    %add3A_3 = arith.addi %sub3A_1, %add3A_2 : i32
    %sub3A_4 = arith.constant 1 : i32
    %sub3A_5 = arith.subi %add3A_3, %sub3A_4 : i32
    %jit3A = arith.constant 32 : i32
    %div3A = arith.divsi %sub3A_5, %jit3A : i32
    %sign3A = arith.constant 0 : i32
    %sign3A_6 = arith.cmpi sgt, %sub3A_5, %sign3A : i32
    %sign3A_7 = arith.extui %sign3A_6 : i1 to i32
    %sign3A_8 = arith.constant 0 : i32
    %sign3A_9 = arith.cmpi slt, %sub3A_5, %sign3A_8 : i32
    %sign3A_10 = arith.extui %sign3A_9 : i1 to i32
    %sign3A_11 = arith.subi %sign3A_7, %sign3A_10 : i32
    %sign3A_12 = arith.constant 0 : i32
    %sign3A_13 = arith.cmpi sgt, %jit3A, %sign3A_12 : i32
    %sign3A_14 = arith.extui %sign3A_13 : i1 to i32
    %sign3A_15 = arith.constant 0 : i32
    %sign3A_16 = arith.cmpi slt, %jit3A, %sign3A_15 : i32
    %sign3A_17 = arith.extui %sign3A_16 : i1 to i32
    %sign3A_18 = arith.subi %sign3A_14, %sign3A_17 : i32
    %ne3A = arith.cmpi ne, %sign3A_11, %sign3A_18 : i32
    %rem3A = arith.remsi %sub3A_5, %jit3A : i32
    %ne3A_19 = arith.constant 0 : i32
    %ne3A_20 = arith.cmpi ne, %rem3A, %ne3A_19 : i32
    %and3A = arith.andi %ne3A, %ne3A_20 : i1
    %sub3A_21 = arith.constant 1 : i32
    %sub3A_22 = arith.subi %div3A, %sub3A_21 : i32
    %select_n3A = arith.select %and3A, %sub3A_22, %div3A : i32
    %gt3A = arith.constant 0 : i32
    %gt3A_23 = arith.cmpi sgt, %select_n3A, %gt3A : i32
    %convert_element_type3A = arith.extui %gt3A_23 : i1 to i32
    %cond3A = arith.constant 0 : i32
    %cond3A_24 = arith.cmpi ne, %convert_element_type3A, %cond3A : i32
    scf.if %cond3A_24 {
      %add3A_62 = arith.constant 0 : i32
      %add3A_63 = arith.addi %add3A, %add3A_62 : i32
      %mul3A_64 = arith.constant 128 : i32
      %mul3A_65 = arith.muli %add3A_63, %mul3A_64 : i32
      %run_scoped3A = arith.constant 0 : i32
      "tpu.region"() ({
        %run_scoped3A_101 = tpu.sem_alloc : memref<!tpu.dma_semaphore, #tpu.memory_space<semaphore_mem>>
        %dma_start3A_102 = arith.constant 0 : i32
        %dma_start3A_103 = tpu.memref_slice %arg9[%run_scoped3A, %dma_start3A_102] : memref<2x128xi32, #tpu.memory_space<vmem>> -> memref<1x128xi32, #tpu.memory_space<vmem>>
        %dma_start3A_104 = tpu.memref_squeeze %dma_start3A_103 : memref<1x128xi32, #tpu.memory_space<vmem>> -> memref<128xi32, #tpu.memory_space<vmem>>
        %dma_start3A_105 = tpu.memref_slice %arg2[%mul3A_65] : memref<50048xi32, #tpu.memory_space<hbm>> -> memref<128xi32, #tpu.memory_space<hbm>>
        %dma_start3A_106 = arith.constant 0 : i32
        %dma_start3A_107 = tpu.memref_slice %arg9[%run_scoped3A, %dma_start3A_106] : memref<2x128xi32, #tpu.memory_space<vmem>> -> memref<1x128xi32, #tpu.memory_space<vmem>>
        %dma_start3A_108 = tpu.memref_squeeze %dma_start3A_107 : memref<1x128xi32, #tpu.memory_space<vmem>> -> memref<128xi32, #tpu.memory_space<vmem>>
        %dma_start3A_109 = tpu.memref_slice %arg2[%mul3A_65] : memref<50048xi32, #tpu.memory_space<hbm>> -> memref<128xi32, #tpu.memory_space<hbm>>
        tpu.enqueue_dma source(%dma_start3A_109 : memref<128xi32, #tpu.memory_space<hbm>>) target(%dma_start3A_108 : memref<128xi32, #tpu.memory_space<vmem>>) target_semaphore(%run_scoped3A_101 : memref<!tpu.dma_semaphore, #tpu.memory_space<semaphore_mem>>)
        %dma_wait3A = arith.constant 0 : i32
        %dma_wait3A_110 = tpu.memref_slice %arg9[%run_scoped3A, %dma_wait3A] : memref<2x128xi32, #tpu.memory_space<vmem>> -> memref<1x128xi32, #tpu.memory_space<vmem>>
        %dma_wait3A_111 = tpu.memref_squeeze %dma_wait3A_110 : memref<1x128xi32, #tpu.memory_space<vmem>> -> memref<128xi32, #tpu.memory_space<vmem>>
        %dma_wait3A_112 = tpu.memref_slice %arg2[%mul3A_65] : memref<50048xi32, #tpu.memory_space<hbm>> -> memref<128xi32, #tpu.memory_space<hbm>>
        %dma_wait3A_113 = arith.constant 0 : i32
        %dma_wait3A_114 = tpu.memref_slice %arg9[%run_scoped3A, %dma_wait3A_113] : memref<2x128xi32, #tpu.memory_space<vmem>> -> memref<1x128xi32, #tpu.memory_space<vmem>>
        %dma_wait3A_115 = tpu.memref_squeeze %dma_wait3A_114 : memref<1x128xi32, #tpu.memory_space<vmem>> -> memref<128xi32, #tpu.memory_space<vmem>>
        %dma_wait3A_116 = tpu.memref_slice %arg2[%mul3A_65] : memref<50048xi32, #tpu.memory_space<hbm>> -> memref<128xi32, #tpu.memory_space<hbm>>
        tpu.wait_dma2 semaphore(%run_scoped3A_101 : memref<!tpu.dma_semaphore, #tpu.memory_space<semaphore_mem>>) src(%dma_wait3A_116 : memref<128xi32, #tpu.memory_space<hbm>>) dst(%dma_wait3A_115 : memref<128xi32, #tpu.memory_space<vmem>>)
        tpu.yield
      }) : () -> ()
      %dma_start3A = arith.constant 0 : i32
      %dma_start3A_66 = arith.constant 0 : i32
      %dma_start3A_67 = arith.constant 0 : i32
      %dma_start3A_68 = arith.constant 0 : i32
      %dma_start3A_69 = tpu.memref_slice %arg10[%dma_start3A_66, %dma_start3A_67, %dma_start3A_68] : memref<2x128x64xf32, #tpu.memory_space<vmem>> -> memref<1x128x64xf32, #tpu.memory_space<vmem>>
      %dma_start3A_70 = tpu.memref_squeeze %dma_start3A_69 : memref<1x128x64xf32, #tpu.memory_space<vmem>> -> memref<128x64xf32, #tpu.memory_space<vmem>>
      %dma_start3A_71 = arith.constant 0 : i32
      %dma_start3A_72 = tpu.memref_slice %arg9[%dma_start3A, %dma_start3A_71] : memref<2x128xi32, #tpu.memory_space<vmem>> -> memref<1x128xi32, #tpu.memory_space<vmem>>
      %dma_start3A_73 = tpu.memref_squeeze %dma_start3A_72 : memref<1x128xi32, #tpu.memory_space<vmem>> -> memref<128xi32, #tpu.memory_space<vmem>>
      %dma_start3A_74 = arith.constant 0 : i32
      %dma_start3A_75 = arith.constant 0 : i32
      %dma_start3A_76 = tpu.memref_slice %arg3[%dma_start3A_74, %dma_start3A_75] : memref<100x64xf32, #tpu.memory_space<hbm>> -> memref<100x64xf32, #tpu.memory_space<hbm>>
      tpu.enqueue_indirect_dma source(%dma_start3A_76 : memref<100x64xf32, #tpu.memory_space<hbm>>) target(%dma_start3A_70 : memref<128x64xf32, #tpu.memory_space<vmem>>) offsets(%dma_start3A_73 : memref<128xi32, #tpu.memory_space<vmem>>) semaphore(%arg13 : memref<!tpu.dma_semaphore, #tpu.memory_space<semaphore_mem>>)
      %dma_start3A_77 = arith.constant 0 : i32
      %dma_start3A_78 = arith.constant 0 : i32
      %dma_start3A_79 = arith.constant 0 : i32
      %dma_start3A_80 = arith.constant 0 : i32
      %dma_start3A_81 = tpu.memref_slice %arg11[%dma_start3A_78, %dma_start3A_79, %dma_start3A_80] : memref<2x128x64xf32, #tpu.memory_space<vmem>> -> memref<1x128x64xf32, #tpu.memory_space<vmem>>
      %dma_start3A_82 = tpu.memref_squeeze %dma_start3A_81 : memref<1x128x64xf32, #tpu.memory_space<vmem>> -> memref<128x64xf32, #tpu.memory_space<vmem>>
      %dma_start3A_83 = arith.constant 0 : i32
      %dma_start3A_84 = tpu.memref_slice %arg9[%dma_start3A_77, %dma_start3A_83] : memref<2x128xi32, #tpu.memory_space<vmem>> -> memref<1x128xi32, #tpu.memory_space<vmem>>
      %dma_start3A_85 = tpu.memref_squeeze %dma_start3A_84 : memref<1x128xi32, #tpu.memory_space<vmem>> -> memref<128xi32, #tpu.memory_space<vmem>>
      %dma_start3A_86 = arith.constant 0 : i32
      %dma_start3A_87 = arith.constant 0 : i32
      %dma_start3A_88 = tpu.memref_slice %arg4[%dma_start3A_86, %dma_start3A_87] : memref<100x64xf32, #tpu.memory_space<hbm>> -> memref<100x64xf32, #tpu.memory_space<hbm>>
      tpu.enqueue_indirect_dma source(%dma_start3A_88 : memref<100x64xf32, #tpu.memory_space<hbm>>) target(%dma_start3A_82 : memref<128x64xf32, #tpu.memory_space<vmem>>) offsets(%dma_start3A_85 : memref<128xi32, #tpu.memory_space<vmem>>) semaphore(%arg13 : memref<!tpu.dma_semaphore, #tpu.memory_space<semaphore_mem>>)
      %dma_start3A_89 = arith.constant 0 : i32
      %dma_start3A_90 = arith.constant 0 : i32
      %dma_start3A_91 = arith.constant 0 : i32
      %dma_start3A_92 = arith.constant 0 : i32
      %dma_start3A_93 = tpu.memref_slice %arg12[%dma_start3A_90, %dma_start3A_91, %dma_start3A_92] : memref<2x128x16xf32, #tpu.memory_space<vmem>> -> memref<1x128x16xf32, #tpu.memory_space<vmem>>
      %dma_start3A_94 = tpu.memref_squeeze %dma_start3A_93 : memref<1x128x16xf32, #tpu.memory_space<vmem>> -> memref<128x16xf32, #tpu.memory_space<vmem>>
      %dma_start3A_95 = arith.constant 0 : i32
      %dma_start3A_96 = tpu.memref_slice %arg9[%dma_start3A_89, %dma_start3A_95] : memref<2x128xi32, #tpu.memory_space<vmem>> -> memref<1x128xi32, #tpu.memory_space<vmem>>
      %dma_start3A_97 = tpu.memref_squeeze %dma_start3A_96 : memref<1x128xi32, #tpu.memory_space<vmem>> -> memref<128xi32, #tpu.memory_space<vmem>>
      %dma_start3A_98 = arith.constant 0 : i32
      %dma_start3A_99 = arith.constant 0 : i32
      %dma_start3A_100 = tpu.memref_slice %arg5[%dma_start3A_98, %dma_start3A_99] : memref<100x16xf32, #tpu.memory_space<hbm>> -> memref<100x16xf32, #tpu.memory_space<hbm>>
      tpu.enqueue_indirect_dma source(%dma_start3A_100 : memref<100x16xf32, #tpu.memory_space<hbm>>) target(%dma_start3A_94 : memref<128x16xf32, #tpu.memory_space<vmem>>) offsets(%dma_start3A_97 : memref<128xi32, #tpu.memory_space<vmem>>) semaphore(%arg13 : memref<!tpu.dma_semaphore, #tpu.memory_space<semaphore_mem>>)
    } else {
    }
    %add3A_25 = arith.constant 1 : i32
    %add3A_26 = arith.addi %select_n3A, %add3A_25 : i32
    %jit3A_27 = arith.constant 2 : i32
    %div3A_28 = arith.divsi %add3A_26, %jit3A_27 : i32
    %sign3A_29 = arith.constant 0 : i32
    %sign3A_30 = arith.cmpi sgt, %add3A_26, %sign3A_29 : i32
    %sign3A_31 = arith.extui %sign3A_30 : i1 to i32
    %sign3A_32 = arith.constant 0 : i32
    %sign3A_33 = arith.cmpi slt, %add3A_26, %sign3A_32 : i32
    %sign3A_34 = arith.extui %sign3A_33 : i1 to i32
    %sign3A_35 = arith.subi %sign3A_31, %sign3A_34 : i32
    %sign3A_36 = arith.constant 0 : i32
    %sign3A_37 = arith.cmpi sgt, %jit3A_27, %sign3A_36 : i32
    %sign3A_38 = arith.extui %sign3A_37 : i1 to i32
    %sign3A_39 = arith.constant 0 : i32
    %sign3A_40 = arith.cmpi slt, %jit3A_27, %sign3A_39 : i32
    %sign3A_41 = arith.extui %sign3A_40 : i1 to i32
    %sign3A_42 = arith.subi %sign3A_38, %sign3A_41 : i32
    %ne3A_43 = arith.cmpi ne, %sign3A_35, %sign3A_42 : i32
    %rem3A_44 = arith.remsi %add3A_26, %jit3A_27 : i32
    %ne3A_45 = arith.constant 0 : i32
    %ne3A_46 = arith.cmpi ne, %rem3A_44, %ne3A_45 : i32
    %and3A_47 = arith.andi %ne3A_43, %ne3A_46 : i1
    %sub3A_48 = arith.constant 1 : i32
    %sub3A_49 = arith.subi %div3A_28, %sub3A_48 : i32
    %select_n3A_50 = arith.select %and3A_47, %sub3A_49, %div3A_28 : i32
    %while3A = arith.constant 0 : i32
    %while3A_51 = arith.constant 0 : i32
    %while3A_52 = arith.subi %select_n3A_50, %while3A : i32
    %while3A_53 = arith.addi %while3A, %while3A_52 : i32
    %while3A_54 = arith.constant 1 : i32
    %while3A_55 = arith.divsi %while3A_52, %while3A_54 : i32
    %while3A_56 = arith.muli %while3A_55, %while3A_54 : i32
    %while3A_57 = arith.addi %while3A, %while3A_56 : i32
    %while3A_58 = arith.constant 1 : i32
    %while3A_59 = scf.for %while3A_62 = %while3A to %while3A_57 step %while3A_58 iter_args(%while3A_63 = %while3A_51) -> (i32)  : i32 {
      %mul3A_64 = arith.constant 2 : i32
      %mul3A_65 = arith.muli %mul3A_64, %while3A_62 : i32
      %add3A_66 = arith.constant 0 : i32
      %add3A_67 = arith.addi %mul3A_65, %add3A_66 : i32
      %lt3A = arith.cmpi slt, %add3A_67, %select_n3A : i32
      %convert_element_type3A_68 = arith.extui %lt3A : i1 to i32
      %cond3A_69 = arith.constant 0 : i32
      %cond3A_70 = arith.cmpi ne, %convert_element_type3A_68, %cond3A_69 : i32
      scf.if %cond3A_70 {
        %add3A_80 = arith.constant 1 : i32
        %add3A_81 = arith.addi %add3A_67, %add3A_80 : i32
        %lt3A_82 = arith.cmpi slt, %add3A_81, %select_n3A : i32
        %convert_element_type3A_83 = arith.extui %lt3A_82 : i1 to i32
        %cond3A_84 = arith.constant 0 : i32
        %cond3A_85 = arith.cmpi ne, %convert_element_type3A_83, %cond3A_84 : i32
        scf.if %cond3A_85 {
          %add3A_128 = arith.constant 1 : i32
          %add3A_129 = arith.addi %add3A_67, %add3A_128 : i32
          %mul3A_130 = arith.constant 32 : i32
          %mul3A_131 = arith.muli %add3A_129, %mul3A_130 : i32
          %add3A_132 = arith.addi %add3A, %mul3A_131 : i32
          %mul3A_133 = arith.constant 128 : i32
          %mul3A_134 = arith.muli %add3A_132, %mul3A_133 : i32
          %run_scoped3A_135 = arith.constant 1 : i32
          "tpu.region"() ({
            %run_scoped3A_171 = tpu.sem_alloc : memref<!tpu.dma_semaphore, #tpu.memory_space<semaphore_mem>>
            %dma_start3A_172 = arith.constant 0 : i32
            %dma_start3A_173 = tpu.memref_slice %arg9[%run_scoped3A_135, %dma_start3A_172] : memref<2x128xi32, #tpu.memory_space<vmem>> -> memref<1x128xi32, #tpu.memory_space<vmem>>
            %dma_start3A_174 = tpu.memref_squeeze %dma_start3A_173 : memref<1x128xi32, #tpu.memory_space<vmem>> -> memref<128xi32, #tpu.memory_space<vmem>>
            %dma_start3A_175 = tpu.memref_slice %arg2[%mul3A_134] : memref<50048xi32, #tpu.memory_space<hbm>> -> memref<128xi32, #tpu.memory_space<hbm>>
            %dma_start3A_176 = arith.constant 0 : i32
            %dma_start3A_177 = tpu.memref_slice %arg9[%run_scoped3A_135, %dma_start3A_176] : memref<2x128xi32, #tpu.memory_space<vmem>> -> memref<1x128xi32, #tpu.memory_space<vmem>>
            %dma_start3A_178 = tpu.memref_squeeze %dma_start3A_177 : memref<1x128xi32, #tpu.memory_space<vmem>> -> memref<128xi32, #tpu.memory_space<vmem>>
            %dma_start3A_179 = tpu.memref_slice %arg2[%mul3A_134] : memref<50048xi32, #tpu.memory_space<hbm>> -> memref<128xi32, #tpu.memory_space<hbm>>
            tpu.enqueue_dma source(%dma_start3A_179 : memref<128xi32, #tpu.memory_space<hbm>>) target(%dma_start3A_178 : memref<128xi32, #tpu.memory_space<vmem>>) target_semaphore(%run_scoped3A_171 : memref<!tpu.dma_semaphore, #tpu.memory_space<semaphore_mem>>)
            %dma_wait3A_180 = arith.constant 0 : i32
            %dma_wait3A_181 = tpu.memref_slice %arg9[%run_scoped3A_135, %dma_wait3A_180] : memref<2x128xi32, #tpu.memory_space<vmem>> -> memref<1x128xi32, #tpu.memory_space<vmem>>
            %dma_wait3A_182 = tpu.memref_squeeze %dma_wait3A_181 : memref<1x128xi32, #tpu.memory_space<vmem>> -> memref<128xi32, #tpu.memory_space<vmem>>
            %dma_wait3A_183 = tpu.memref_slice %arg2[%mul3A_134] : memref<50048xi32, #tpu.memory_space<hbm>> -> memref<128xi32, #tpu.memory_space<hbm>>
            %dma_wait3A_184 = arith.constant 0 : i32
            %dma_wait3A_185 = tpu.memref_slice %arg9[%run_scoped3A_135, %dma_wait3A_184] : memref<2x128xi32, #tpu.memory_space<vmem>> -> memref<1x128xi32, #tpu.memory_space<vmem>>
            %dma_wait3A_186 = tpu.memref_squeeze %dma_wait3A_185 : memref<1x128xi32, #tpu.memory_space<vmem>> -> memref<128xi32, #tpu.memory_space<vmem>>
            %dma_wait3A_187 = tpu.memref_slice %arg2[%mul3A_134] : memref<50048xi32, #tpu.memory_space<hbm>> -> memref<128xi32, #tpu.memory_space<hbm>>
            tpu.wait_dma2 semaphore(%run_scoped3A_171 : memref<!tpu.dma_semaphore, #tpu.memory_space<semaphore_mem>>) src(%dma_wait3A_187 : memref<128xi32, #tpu.memory_space<hbm>>) dst(%dma_wait3A_186 : memref<128xi32, #tpu.memory_space<vmem>>)
            tpu.yield
          }) : () -> ()
          %dma_start3A = arith.constant 1 : i32
          %dma_start3A_136 = arith.constant 1 : i32
          %dma_start3A_137 = arith.constant 0 : i32
          %dma_start3A_138 = arith.constant 0 : i32
          %dma_start3A_139 = tpu.memref_slice %arg10[%dma_start3A_136, %dma_start3A_137, %dma_start3A_138] : memref<2x128x64xf32, #tpu.memory_space<vmem>> -> memref<1x128x64xf32, #tpu.memory_space<vmem>>
          %dma_start3A_140 = tpu.memref_squeeze %dma_start3A_139 : memref<1x128x64xf32, #tpu.memory_space<vmem>> -> memref<128x64xf32, #tpu.memory_space<vmem>>
          %dma_start3A_141 = arith.constant 0 : i32
          %dma_start3A_142 = tpu.memref_slice %arg9[%dma_start3A, %dma_start3A_141] : memref<2x128xi32, #tpu.memory_space<vmem>> -> memref<1x128xi32, #tpu.memory_space<vmem>>
          %dma_start3A_143 = tpu.memref_squeeze %dma_start3A_142 : memref<1x128xi32, #tpu.memory_space<vmem>> -> memref<128xi32, #tpu.memory_space<vmem>>
          %dma_start3A_144 = arith.constant 0 : i32
          %dma_start3A_145 = arith.constant 0 : i32
          %dma_start3A_146 = tpu.memref_slice %arg3[%dma_start3A_144, %dma_start3A_145] : memref<100x64xf32, #tpu.memory_space<hbm>> -> memref<100x64xf32, #tpu.memory_space<hbm>>
          tpu.enqueue_indirect_dma source(%dma_start3A_146 : memref<100x64xf32, #tpu.memory_space<hbm>>) target(%dma_start3A_140 : memref<128x64xf32, #tpu.memory_space<vmem>>) offsets(%dma_start3A_143 : memref<128xi32, #tpu.memory_space<vmem>>) semaphore(%arg14 : memref<!tpu.dma_semaphore, #tpu.memory_space<semaphore_mem>>)
          %dma_start3A_147 = arith.constant 1 : i32
          %dma_start3A_148 = arith.constant 1 : i32
          %dma_start3A_149 = arith.constant 0 : i32
          %dma_start3A_150 = arith.constant 0 : i32
          %dma_start3A_151 = tpu.memref_slice %arg11[%dma_start3A_148, %dma_start3A_149, %dma_start3A_150] : memref<2x128x64xf32, #tpu.memory_space<vmem>> -> memref<1x128x64xf32, #tpu.memory_space<vmem>>
          %dma_start3A_152 = tpu.memref_squeeze %dma_start3A_151 : memref<1x128x64xf32, #tpu.memory_space<vmem>> -> memref<128x64xf32, #tpu.memory_space<vmem>>
          %dma_start3A_153 = arith.constant 0 : i32
          %dma_start3A_154 = tpu.memref_slice %arg9[%dma_start3A_147, %dma_start3A_153] : memref<2x128xi32, #tpu.memory_space<vmem>> -> memref<1x128xi32, #tpu.memory_space<vmem>>
          %dma_start3A_155 = tpu.memref_squeeze %dma_start3A_154 : memref<1x128xi32, #tpu.memory_space<vmem>> -> memref<128xi32, #tpu.memory_space<vmem>>
          %dma_start3A_156 = arith.constant 0 : i32
          %dma_start3A_157 = arith.constant 0 : i32
          %dma_start3A_158 = tpu.memref_slice %arg4[%dma_start3A_156, %dma_start3A_157] : memref<100x64xf32, #tpu.memory_space<hbm>> -> memref<100x64xf32, #tpu.memory_space<hbm>>
          tpu.enqueue_indirect_dma source(%dma_start3A_158 : memref<100x64xf32, #tpu.memory_space<hbm>>) target(%dma_start3A_152 : memref<128x64xf32, #tpu.memory_space<vmem>>) offsets(%dma_start3A_155 : memref<128xi32, #tpu.memory_space<vmem>>) semaphore(%arg14 : memref<!tpu.dma_semaphore, #tpu.memory_space<semaphore_mem>>)
          %dma_start3A_159 = arith.constant 1 : i32
          %dma_start3A_160 = arith.constant 1 : i32
          %dma_start3A_161 = arith.constant 0 : i32
          %dma_start3A_162 = arith.constant 0 : i32
          %dma_start3A_163 = tpu.memref_slice %arg12[%dma_start3A_160, %dma_start3A_161, %dma_start3A_162] : memref<2x128x16xf32, #tpu.memory_space<vmem>> -> memref<1x128x16xf32, #tpu.memory_space<vmem>>
          %dma_start3A_164 = tpu.memref_squeeze %dma_start3A_163 : memref<1x128x16xf32, #tpu.memory_space<vmem>> -> memref<128x16xf32, #tpu.memory_space<vmem>>
          %dma_start3A_165 = arith.constant 0 : i32
          %dma_start3A_166 = tpu.memref_slice %arg9[%dma_start3A_159, %dma_start3A_165] : memref<2x128xi32, #tpu.memory_space<vmem>> -> memref<1x128xi32, #tpu.memory_space<vmem>>
          %dma_start3A_167 = tpu.memref_squeeze %dma_start3A_166 : memref<1x128xi32, #tpu.memory_space<vmem>> -> memref<128xi32, #tpu.memory_space<vmem>>
          %dma_start3A_168 = arith.constant 0 : i32
          %dma_start3A_169 = arith.constant 0 : i32
          %dma_start3A_170 = tpu.memref_slice %arg5[%dma_start3A_168, %dma_start3A_169] : memref<100x16xf32, #tpu.memory_space<hbm>> -> memref<100x16xf32, #tpu.memory_space<hbm>>
          tpu.enqueue_indirect_dma source(%dma_start3A_170 : memref<100x16xf32, #tpu.memory_space<hbm>>) target(%dma_start3A_164 : memref<128x16xf32, #tpu.memory_space<vmem>>) offsets(%dma_start3A_167 : memref<128xi32, #tpu.memory_space<vmem>>) semaphore(%arg14 : memref<!tpu.dma_semaphore, #tpu.memory_space<semaphore_mem>>)
        } else {
        }
        %dma_wait3A = arith.constant 0 : i32
        %dma_wait3A_86 = arith.constant 0 : i32
        %dma_wait3A_87 = arith.constant 0 : i32
        %dma_wait3A_88 = arith.constant 0 : i32
        %dma_wait3A_89 = tpu.memref_slice %arg10[%dma_wait3A_86, %dma_wait3A_87, %dma_wait3A_88] : memref<2x128x64xf32, #tpu.memory_space<vmem>> -> memref<1x128x64xf32, #tpu.memory_space<vmem>>
        %dma_wait3A_90 = tpu.memref_squeeze %dma_wait3A_89 : memref<1x128x64xf32, #tpu.memory_space<vmem>> -> memref<128x64xf32, #tpu.memory_space<vmem>>
        %dma_wait3A_91 = arith.constant 0 : i32
        %dma_wait3A_92 = tpu.memref_slice %arg9[%dma_wait3A, %dma_wait3A_91] : memref<2x128xi32, #tpu.memory_space<vmem>> -> memref<1x128xi32, #tpu.memory_space<vmem>>
        %dma_wait3A_93 = tpu.memref_squeeze %dma_wait3A_92 : memref<1x128xi32, #tpu.memory_space<vmem>> -> memref<128xi32, #tpu.memory_space<vmem>>
        %dma_wait3A_94 = arith.constant 0 : i32
        %dma_wait3A_95 = arith.constant 0 : i32
        %dma_wait3A_96 = tpu.memref_slice %arg3[%dma_wait3A_94, %dma_wait3A_95] : memref<100x64xf32, #tpu.memory_space<hbm>> -> memref<100x64xf32, #tpu.memory_space<hbm>>
        tpu.wait_indirect_dma semaphore(%arg13 : memref<!tpu.dma_semaphore, #tpu.memory_space<semaphore_mem>>) src(%dma_wait3A_96 : memref<100x64xf32, #tpu.memory_space<hbm>>) dst(%dma_wait3A_90 : memref<128x64xf32, #tpu.memory_space<vmem>>)
        %dma_wait3A_97 = arith.constant 0 : i32
        %dma_wait3A_98 = arith.constant 0 : i32
        %dma_wait3A_99 = arith.constant 0 : i32
        %dma_wait3A_100 = arith.constant 0 : i32
        %dma_wait3A_101 = tpu.memref_slice %arg11[%dma_wait3A_98, %dma_wait3A_99, %dma_wait3A_100] : memref<2x128x64xf32, #tpu.memory_space<vmem>> -> memref<1x128x64xf32, #tpu.memory_space<vmem>>
        %dma_wait3A_102 = tpu.memref_squeeze %dma_wait3A_101 : memref<1x128x64xf32, #tpu.memory_space<vmem>> -> memref<128x64xf32, #tpu.memory_space<vmem>>
        %dma_wait3A_103 = arith.constant 0 : i32
        %dma_wait3A_104 = tpu.memref_slice %arg9[%dma_wait3A_97, %dma_wait3A_103] : memref<2x128xi32, #tpu.memory_space<vmem>> -> memref<1x128xi32, #tpu.memory_space<vmem>>
        %dma_wait3A_105 = tpu.memref_squeeze %dma_wait3A_104 : memref<1x128xi32, #tpu.memory_space<vmem>> -> memref<128xi32, #tpu.memory_space<vmem>>
        %dma_wait3A_106 = arith.constant 0 : i32
        %dma_wait3A_107 = arith.constant 0 : i32
        %dma_wait3A_108 = tpu.memref_slice %arg4[%dma_wait3A_106, %dma_wait3A_107] : memref<100x64xf32, #tpu.memory_space<hbm>> -> memref<100x64xf32, #tpu.memory_space<hbm>>
        tpu.wait_indirect_dma semaphore(%arg13 : memref<!tpu.dma_semaphore, #tpu.memory_space<semaphore_mem>>) src(%dma_wait3A_108 : memref<100x64xf32, #tpu.memory_space<hbm>>) dst(%dma_wait3A_102 : memref<128x64xf32, #tpu.memory_space<vmem>>)
        %dma_wait3A_109 = arith.constant 0 : i32
        %dma_wait3A_110 = arith.constant 0 : i32
        %dma_wait3A_111 = arith.constant 0 : i32
        %dma_wait3A_112 = arith.constant 0 : i32
        %dma_wait3A_113 = tpu.memref_slice %arg12[%dma_wait3A_110, %dma_wait3A_111, %dma_wait3A_112] : memref<2x128x16xf32, #tpu.memory_space<vmem>> -> memref<1x128x16xf32, #tpu.memory_space<vmem>>
        %dma_wait3A_114 = tpu.memref_squeeze %dma_wait3A_113 : memref<1x128x16xf32, #tpu.memory_space<vmem>> -> memref<128x16xf32, #tpu.memory_space<vmem>>
        %dma_wait3A_115 = arith.constant 0 : i32
        %dma_wait3A_116 = tpu.memref_slice %arg9[%dma_wait3A_109, %dma_wait3A_115] : memref<2x128xi32, #tpu.memory_space<vmem>> -> memref<1x128xi32, #tpu.memory_space<vmem>>
        %dma_wait3A_117 = tpu.memref_squeeze %dma_wait3A_116 : memref<1x128xi32, #tpu.memory_space<vmem>> -> memref<128xi32, #tpu.memory_space<vmem>>
        %dma_wait3A_118 = arith.constant 0 : i32
        %dma_wait3A_119 = arith.constant 0 : i32
        %dma_wait3A_120 = tpu.memref_slice %arg5[%dma_wait3A_118, %dma_wait3A_119] : memref<100x16xf32, #tpu.memory_space<hbm>> -> memref<100x16xf32, #tpu.memory_space<hbm>>
        tpu.wait_indirect_dma semaphore(%arg13 : memref<!tpu.dma_semaphore, #tpu.memory_space<semaphore_mem>>) src(%dma_wait3A_120 : memref<100x16xf32, #tpu.memory_space<hbm>>) dst(%dma_wait3A_114 : memref<128x16xf32, #tpu.memory_space<vmem>>)
        %mul3A_121 = arith.constant 32 : i32
        %mul3A_122 = arith.muli %add3A_67, %mul3A_121 : i32
        %add3A_123 = arith.addi %add3A, %mul3A_122 : i32
        %mul3A_124 = arith.constant 128 : i32
        %mul3A_125 = arith.muli %add3A_123, %mul3A_124 : i32
        %run_scoped3A = arith.constant 0 : i32
        "tpu.region"() ({
          %run_scoped3A_128 = tpu.sem_alloc : memref<!tpu.dma_semaphore, #tpu.memory_space<semaphore_mem>>
          %dma_start3A = arith.constant 0 : i32
          %dma_start3A_129 = arith.constant 0 : i32
          %dma_start3A_130 = tpu.memref_slice %arg10[%run_scoped3A, %dma_start3A, %dma_start3A_129] : memref<2x128x64xf32, #tpu.memory_space<vmem>> -> memref<1x128x64xf32, #tpu.memory_space<vmem>>
          %dma_start3A_131 = tpu.memref_squeeze %dma_start3A_130 : memref<1x128x64xf32, #tpu.memory_space<vmem>> -> memref<128x64xf32, #tpu.memory_space<vmem>>
          %dma_start3A_132 = arith.constant 0 : i32
          %dma_start3A_133 = tpu.memref_slice %arg6[%mul3A_125, %dma_start3A_132] : memref<50048x64xf32, #tpu.memory_space<hbm>> -> memref<128x64xf32, #tpu.memory_space<hbm>>
          %dma_start3A_134 = arith.constant 0 : i32
          %dma_start3A_135 = tpu.memref_slice %arg6[%mul3A_125, %dma_start3A_134] : memref<50048x64xf32, #tpu.memory_space<hbm>> -> memref<128x64xf32, #tpu.memory_space<hbm>>
          %dma_start3A_136 = arith.constant 0 : i32
          %dma_start3A_137 = arith.constant 0 : i32
          %dma_start3A_138 = tpu.memref_slice %arg10[%run_scoped3A, %dma_start3A_136, %dma_start3A_137] : memref<2x128x64xf32, #tpu.memory_space<vmem>> -> memref<1x128x64xf32, #tpu.memory_space<vmem>>
          %dma_start3A_139 = tpu.memref_squeeze %dma_start3A_138 : memref<1x128x64xf32, #tpu.memory_space<vmem>> -> memref<128x64xf32, #tpu.memory_space<vmem>>
          tpu.enqueue_dma source(%dma_start3A_139 : memref<128x64xf32, #tpu.memory_space<vmem>>) target(%dma_start3A_135 : memref<128x64xf32, #tpu.memory_space<hbm>>) target_semaphore(%run_scoped3A_128 : memref<!tpu.dma_semaphore, #tpu.memory_space<semaphore_mem>>)
          %dma_wait3A_140 = arith.constant 0 : i32
          %dma_wait3A_141 = arith.constant 0 : i32
          %dma_wait3A_142 = tpu.memref_slice %arg10[%run_scoped3A, %dma_wait3A_140, %dma_wait3A_141] : memref<2x128x64xf32, #tpu.memory_space<vmem>> -> memref<1x128x64xf32, #tpu.memory_space<vmem>>
          %dma_wait3A_143 = tpu.memref_squeeze %dma_wait3A_142 : memref<1x128x64xf32, #tpu.memory_space<vmem>> -> memref<128x64xf32, #tpu.memory_space<vmem>>
          %dma_wait3A_144 = arith.constant 0 : i32
          %dma_wait3A_145 = tpu.memref_slice %arg6[%mul3A_125, %dma_wait3A_144] : memref<50048x64xf32, #tpu.memory_space<hbm>> -> memref<128x64xf32, #tpu.memory_space<hbm>>
          %dma_wait3A_146 = arith.constant 0 : i32
          %dma_wait3A_147 = tpu.memref_slice %arg6[%mul3A_125, %dma_wait3A_146] : memref<50048x64xf32, #tpu.memory_space<hbm>> -> memref<128x64xf32, #tpu.memory_space<hbm>>
          %dma_wait3A_148 = arith.constant 0 : i32
          %dma_wait3A_149 = arith.constant 0 : i32
          %dma_wait3A_150 = tpu.memref_slice %arg10[%run_scoped3A, %dma_wait3A_148, %dma_wait3A_149] : memref<2x128x64xf32, #tpu.memory_space<vmem>> -> memref<1x128x64xf32, #tpu.memory_space<vmem>>
          %dma_wait3A_151 = tpu.memref_squeeze %dma_wait3A_150 : memref<1x128x64xf32, #tpu.memory_space<vmem>> -> memref<128x64xf32, #tpu.memory_space<vmem>>
          tpu.wait_dma2 semaphore(%run_scoped3A_128 : memref<!tpu.dma_semaphore, #tpu.memory_space<semaphore_mem>>) src(%dma_wait3A_151 : memref<128x64xf32, #tpu.memory_space<vmem>>) dst(%dma_wait3A_147 : memref<128x64xf32, #tpu.memory_space<hbm>>)
          tpu.yield
        }) : () -> ()
        %run_scoped3A_126 = arith.constant 0 : i32
        "tpu.region"() ({
          %run_scoped3A_128 = tpu.sem_alloc : memref<!tpu.dma_semaphore, #tpu.memory_space<semaphore_mem>>
          %dma_start3A = arith.constant 0 : i32
          %dma_start3A_129 = arith.constant 0 : i32
          %dma_start3A_130 = tpu.memref_slice %arg11[%run_scoped3A_126, %dma_start3A, %dma_start3A_129] : memref<2x128x64xf32, #tpu.memory_space<vmem>> -> memref<1x128x64xf32, #tpu.memory_space<vmem>>
          %dma_start3A_131 = tpu.memref_squeeze %dma_start3A_130 : memref<1x128x64xf32, #tpu.memory_space<vmem>> -> memref<128x64xf32, #tpu.memory_space<vmem>>
          %dma_start3A_132 = arith.constant 0 : i32
          %dma_start3A_133 = tpu.memref_slice %arg7[%mul3A_125, %dma_start3A_132] : memref<50048x64xf32, #tpu.memory_space<hbm>> -> memref<128x64xf32, #tpu.memory_space<hbm>>
          %dma_start3A_134 = arith.constant 0 : i32
          %dma_start3A_135 = tpu.memref_slice %arg7[%mul3A_125, %dma_start3A_134] : memref<50048x64xf32, #tpu.memory_space<hbm>> -> memref<128x64xf32, #tpu.memory_space<hbm>>
          %dma_start3A_136 = arith.constant 0 : i32
          %dma_start3A_137 = arith.constant 0 : i32
          %dma_start3A_138 = tpu.memref_slice %arg11[%run_scoped3A_126, %dma_start3A_136, %dma_start3A_137] : memref<2x128x64xf32, #tpu.memory_space<vmem>> -> memref<1x128x64xf32, #tpu.memory_space<vmem>>
          %dma_start3A_139 = tpu.memref_squeeze %dma_start3A_138 : memref<1x128x64xf32, #tpu.memory_space<vmem>> -> memref<128x64xf32, #tpu.memory_space<vmem>>
          tpu.enqueue_dma source(%dma_start3A_139 : memref<128x64xf32, #tpu.memory_space<vmem>>) target(%dma_start3A_135 : memref<128x64xf32, #tpu.memory_space<hbm>>) target_semaphore(%run_scoped3A_128 : memref<!tpu.dma_semaphore, #tpu.memory_space<semaphore_mem>>)
          %dma_wait3A_140 = arith.constant 0 : i32
          %dma_wait3A_141 = arith.constant 0 : i32
          %dma_wait3A_142 = tpu.memref_slice %arg11[%run_scoped3A_126, %dma_wait3A_140, %dma_wait3A_141] : memref<2x128x64xf32, #tpu.memory_space<vmem>> -> memref<1x128x64xf32, #tpu.memory_space<vmem>>
          %dma_wait3A_143 = tpu.memref_squeeze %dma_wait3A_142 : memref<1x128x64xf32, #tpu.memory_space<vmem>> -> memref<128x64xf32, #tpu.memory_space<vmem>>
          %dma_wait3A_144 = arith.constant 0 : i32
          %dma_wait3A_145 = tpu.memref_slice %arg7[%mul3A_125, %dma_wait3A_144] : memref<50048x64xf32, #tpu.memory_space<hbm>> -> memref<128x64xf32, #tpu.memory_space<hbm>>
          %dma_wait3A_146 = arith.constant 0 : i32
          %dma_wait3A_147 = tpu.memref_slice %arg7[%mul3A_125, %dma_wait3A_146] : memref<50048x64xf32, #tpu.memory_space<hbm>> -> memref<128x64xf32, #tpu.memory_space<hbm>>
          %dma_wait3A_148 = arith.constant 0 : i32
          %dma_wait3A_149 = arith.constant 0 : i32
          %dma_wait3A_150 = tpu.memref_slice %arg11[%run_scoped3A_126, %dma_wait3A_148, %dma_wait3A_149] : memref<2x128x64xf32, #tpu.memory_space<vmem>> -> memref<1x128x64xf32, #tpu.memory_space<vmem>>
          %dma_wait3A_151 = tpu.memref_squeeze %dma_wait3A_150 : memref<1x128x64xf32, #tpu.memory_space<vmem>> -> memref<128x64xf32, #tpu.memory_space<vmem>>
          tpu.wait_dma2 semaphore(%run_scoped3A_128 : memref<!tpu.dma_semaphore, #tpu.memory_space<semaphore_mem>>) src(%dma_wait3A_151 : memref<128x64xf32, #tpu.memory_space<vmem>>) dst(%dma_wait3A_147 : memref<128x64xf32, #tpu.memory_space<hbm>>)
          tpu.yield
        }) : () -> ()
        %run_scoped3A_127 = arith.constant 0 : i32
        "tpu.region"() ({
          %run_scoped3A_128 = tpu.sem_alloc : memref<!tpu.dma_semaphore, #tpu.memory_space<semaphore_mem>>
          %dma_start3A = arith.constant 0 : i32
          %dma_start3A_129 = arith.constant 0 : i32
          %dma_start3A_130 = tpu.memref_slice %arg12[%run_scoped3A_127, %dma_start3A, %dma_start3A_129] : memref<2x128x16xf32, #tpu.memory_space<vmem>> -> memref<1x128x16xf32, #tpu.memory_space<vmem>>
          %dma_start3A_131 = tpu.memref_squeeze %dma_start3A_130 : memref<1x128x16xf32, #tpu.memory_space<vmem>> -> memref<128x16xf32, #tpu.memory_space<vmem>>
          %dma_start3A_132 = arith.constant 0 : i32
          %dma_start3A_133 = tpu.memref_slice %arg8[%mul3A_125, %dma_start3A_132] : memref<50048x16xf32, #tpu.memory_space<hbm>> -> memref<128x16xf32, #tpu.memory_space<hbm>>
          %dma_start3A_134 = arith.constant 0 : i32
          %dma_start3A_135 = tpu.memref_slice %arg8[%mul3A_125, %dma_start3A_134] : memref<50048x16xf32, #tpu.memory_space<hbm>> -> memref<128x16xf32, #tpu.memory_space<hbm>>
          %dma_start3A_136 = arith.constant 0 : i32
          %dma_start3A_137 = arith.constant 0 : i32
          %dma_start3A_138 = tpu.memref_slice %arg12[%run_scoped3A_127, %dma_start3A_136, %dma_start3A_137] : memref<2x128x16xf32, #tpu.memory_space<vmem>> -> memref<1x128x16xf32, #tpu.memory_space<vmem>>
          %dma_start3A_139 = tpu.memref_squeeze %dma_start3A_138 : memref<1x128x16xf32, #tpu.memory_space<vmem>> -> memref<128x16xf32, #tpu.memory_space<vmem>>
          tpu.enqueue_dma source(%dma_start3A_139 : memref<128x16xf32, #tpu.memory_space<vmem>>) target(%dma_start3A_135 : memref<128x16xf32, #tpu.memory_space<hbm>>) target_semaphore(%run_scoped3A_128 : memref<!tpu.dma_semaphore, #tpu.memory_space<semaphore_mem>>)
          %dma_wait3A_140 = arith.constant 0 : i32
          %dma_wait3A_141 = arith.constant 0 : i32
          %dma_wait3A_142 = tpu.memref_slice %arg12[%run_scoped3A_127, %dma_wait3A_140, %dma_wait3A_141] : memref<2x128x16xf32, #tpu.memory_space<vmem>> -> memref<1x128x16xf32, #tpu.memory_space<vmem>>
          %dma_wait3A_143 = tpu.memref_squeeze %dma_wait3A_142 : memref<1x128x16xf32, #tpu.memory_space<vmem>> -> memref<128x16xf32, #tpu.memory_space<vmem>>
          %dma_wait3A_144 = arith.constant 0 : i32
          %dma_wait3A_145 = tpu.memref_slice %arg8[%mul3A_125, %dma_wait3A_144] : memref<50048x16xf32, #tpu.memory_space<hbm>> -> memref<128x16xf32, #tpu.memory_space<hbm>>
          %dma_wait3A_146 = arith.constant 0 : i32
          %dma_wait3A_147 = tpu.memref_slice %arg8[%mul3A_125, %dma_wait3A_146] : memref<50048x16xf32, #tpu.memory_space<hbm>> -> memref<128x16xf32, #tpu.memory_space<hbm>>
          %dma_wait3A_148 = arith.constant 0 : i32
          %dma_wait3A_149 = arith.constant 0 : i32
          %dma_wait3A_150 = tpu.memref_slice %arg12[%run_scoped3A_127, %dma_wait3A_148, %dma_wait3A_149] : memref<2x128x16xf32, #tpu.memory_space<vmem>> -> memref<1x128x16xf32, #tpu.memory_space<vmem>>
          %dma_wait3A_151 = tpu.memref_squeeze %dma_wait3A_150 : memref<1x128x16xf32, #tpu.memory_space<vmem>> -> memref<128x16xf32, #tpu.memory_space<vmem>>
          tpu.wait_dma2 semaphore(%run_scoped3A_128 : memref<!tpu.dma_semaphore, #tpu.memory_space<semaphore_mem>>) src(%dma_wait3A_151 : memref<128x16xf32, #tpu.memory_space<vmem>>) dst(%dma_wait3A_147 : memref<128x16xf32, #tpu.memory_space<hbm>>)
          tpu.yield
        }) : () -> ()
      } else {
      }
      %mul3A_71 = arith.constant 2 : i32
      %mul3A_72 = arith.muli %mul3A_71, %while3A_62 : i32
      %add3A_73 = arith.constant 1 : i32
      %add3A_74 = arith.addi %mul3A_72, %add3A_73 : i32
      %lt3A_75 = arith.cmpi slt, %add3A_74, %select_n3A : i32
      %convert_element_type3A_76 = arith.extui %lt3A_75 : i1 to i32
      %cond3A_77 = arith.constant 0 : i32
      %cond3A_78 = arith.cmpi ne, %convert_element_type3A_76, %cond3A_77 : i32
      scf.if %cond3A_78 {
        %add3A_80 = arith.constant 1 : i32
        %add3A_81 = arith.addi %add3A_74, %add3A_80 : i32
        %lt3A_82 = arith.cmpi slt, %add3A_81, %select_n3A : i32
        %convert_element_type3A_83 = arith.extui %lt3A_82 : i1 to i32
        %cond3A_84 = arith.constant 0 : i32
        %cond3A_85 = arith.cmpi ne, %convert_element_type3A_83, %cond3A_84 : i32
        scf.if %cond3A_85 {
          %add3A_128 = arith.constant 1 : i32
          %add3A_129 = arith.addi %add3A_74, %add3A_128 : i32
          %mul3A_130 = arith.constant 32 : i32
          %mul3A_131 = arith.muli %add3A_129, %mul3A_130 : i32
          %add3A_132 = arith.addi %add3A, %mul3A_131 : i32
          %mul3A_133 = arith.constant 128 : i32
          %mul3A_134 = arith.muli %add3A_132, %mul3A_133 : i32
          %run_scoped3A_135 = arith.constant 0 : i32
          "tpu.region"() ({
            %run_scoped3A_171 = tpu.sem_alloc : memref<!tpu.dma_semaphore, #tpu.memory_space<semaphore_mem>>
            %dma_start3A_172 = arith.constant 0 : i32
            %dma_start3A_173 = tpu.memref_slice %arg9[%run_scoped3A_135, %dma_start3A_172] : memref<2x128xi32, #tpu.memory_space<vmem>> -> memref<1x128xi32, #tpu.memory_space<vmem>>
            %dma_start3A_174 = tpu.memref_squeeze %dma_start3A_173 : memref<1x128xi32, #tpu.memory_space<vmem>> -> memref<128xi32, #tpu.memory_space<vmem>>
            %dma_start3A_175 = tpu.memref_slice %arg2[%mul3A_134] : memref<50048xi32, #tpu.memory_space<hbm>> -> memref<128xi32, #tpu.memory_space<hbm>>
            %dma_start3A_176 = arith.constant 0 : i32
            %dma_start3A_177 = tpu.memref_slice %arg9[%run_scoped3A_135, %dma_start3A_176] : memref<2x128xi32, #tpu.memory_space<vmem>> -> memref<1x128xi32, #tpu.memory_space<vmem>>
            %dma_start3A_178 = tpu.memref_squeeze %dma_start3A_177 : memref<1x128xi32, #tpu.memory_space<vmem>> -> memref<128xi32, #tpu.memory_space<vmem>>
            %dma_start3A_179 = tpu.memref_slice %arg2[%mul3A_134] : memref<50048xi32, #tpu.memory_space<hbm>> -> memref<128xi32, #tpu.memory_space<hbm>>
            tpu.enqueue_dma source(%dma_start3A_179 : memref<128xi32, #tpu.memory_space<hbm>>) target(%dma_start3A_178 : memref<128xi32, #tpu.memory_space<vmem>>) target_semaphore(%run_scoped3A_171 : memref<!tpu.dma_semaphore, #tpu.memory_space<semaphore_mem>>)
            %dma_wait3A_180 = arith.constant 0 : i32
            %dma_wait3A_181 = tpu.memref_slice %arg9[%run_scoped3A_135, %dma_wait3A_180] : memref<2x128xi32, #tpu.memory_space<vmem>> -> memref<1x128xi32, #tpu.memory_space<vmem>>
            %dma_wait3A_182 = tpu.memref_squeeze %dma_wait3A_181 : memref<1x128xi32, #tpu.memory_space<vmem>> -> memref<128xi32, #tpu.memory_space<vmem>>
            %dma_wait3A_183 = tpu.memref_slice %arg2[%mul3A_134] : memref<50048xi32, #tpu.memory_space<hbm>> -> memref<128xi32, #tpu.memory_space<hbm>>
            %dma_wait3A_184 = arith.constant 0 : i32
            %dma_wait3A_185 = tpu.memref_slice %arg9[%run_scoped3A_135, %dma_wait3A_184] : memref<2x128xi32, #tpu.memory_space<vmem>> -> memref<1x128xi32, #tpu.memory_space<vmem>>
            %dma_wait3A_186 = tpu.memref_squeeze %dma_wait3A_185 : memref<1x128xi32, #tpu.memory_space<vmem>> -> memref<128xi32, #tpu.memory_space<vmem>>
            %dma_wait3A_187 = tpu.memref_slice %arg2[%mul3A_134] : memref<50048xi32, #tpu.memory_space<hbm>> -> memref<128xi32, #tpu.memory_space<hbm>>
            tpu.wait_dma2 semaphore(%run_scoped3A_171 : memref<!tpu.dma_semaphore, #tpu.memory_space<semaphore_mem>>) src(%dma_wait3A_187 : memref<128xi32, #tpu.memory_space<hbm>>) dst(%dma_wait3A_186 : memref<128xi32, #tpu.memory_space<vmem>>)
            tpu.yield
          }) : () -> ()
          %dma_start3A = arith.constant 0 : i32
          %dma_start3A_136 = arith.constant 0 : i32
          %dma_start3A_137 = arith.constant 0 : i32
          %dma_start3A_138 = arith.constant 0 : i32
          %dma_start3A_139 = tpu.memref_slice %arg10[%dma_start3A_136, %dma_start3A_137, %dma_start3A_138] : memref<2x128x64xf32, #tpu.memory_space<vmem>> -> memref<1x128x64xf32, #tpu.memory_space<vmem>>
          %dma_start3A_140 = tpu.memref_squeeze %dma_start3A_139 : memref<1x128x64xf32, #tpu.memory_space<vmem>> -> memref<128x64xf32, #tpu.memory_space<vmem>>
          %dma_start3A_141 = arith.constant 0 : i32
          %dma_start3A_142 = tpu.memref_slice %arg9[%dma_start3A, %dma_start3A_141] : memref<2x128xi32, #tpu.memory_space<vmem>> -> memref<1x128xi32, #tpu.memory_space<vmem>>
          %dma_start3A_143 = tpu.memref_squeeze %dma_start3A_142 : memref<1x128xi32, #tpu.memory_space<vmem>> -> memref<128xi32, #tpu.memory_space<vmem>>
          %dma_start3A_144 = arith.constant 0 : i32
          %dma_start3A_145 = arith.constant 0 : i32
          %dma_start3A_146 = tpu.memref_slice %arg3[%dma_start3A_144, %dma_start3A_145] : memref<100x64xf32, #tpu.memory_space<hbm>> -> memref<100x64xf32, #tpu.memory_space<hbm>>
          tpu.enqueue_indirect_dma source(%dma_start3A_146 : memref<100x64xf32, #tpu.memory_space<hbm>>) target(%dma_start3A_140 : memref<128x64xf32, #tpu.memory_space<vmem>>) offsets(%dma_start3A_143 : memref<128xi32, #tpu.memory_space<vmem>>) semaphore(%arg13 : memref<!tpu.dma_semaphore, #tpu.memory_space<semaphore_mem>>)
          %dma_start3A_147 = arith.constant 0 : i32
          %dma_start3A_148 = arith.constant 0 : i32
          %dma_start3A_149 = arith.constant 0 : i32
          %dma_start3A_150 = arith.constant 0 : i32
          %dma_start3A_151 = tpu.memref_slice %arg11[%dma_start3A_148, %dma_start3A_149, %dma_start3A_150] : memref<2x128x64xf32, #tpu.memory_space<vmem>> -> memref<1x128x64xf32, #tpu.memory_space<vmem>>
          %dma_start3A_152 = tpu.memref_squeeze %dma_start3A_151 : memref<1x128x64xf32, #tpu.memory_space<vmem>> -> memref<128x64xf32, #tpu.memory_space<vmem>>
          %dma_start3A_153 = arith.constant 0 : i32
          %dma_start3A_154 = tpu.memref_slice %arg9[%dma_start3A_147, %dma_start3A_153] : memref<2x128xi32, #tpu.memory_space<vmem>> -> memref<1x128xi32, #tpu.memory_space<vmem>>
          %dma_start3A_155 = tpu.memref_squeeze %dma_start3A_154 : memref<1x128xi32, #tpu.memory_space<vmem>> -> memref<128xi32, #tpu.memory_space<vmem>>
          %dma_start3A_156 = arith.constant 0 : i32
          %dma_start3A_157 = arith.constant 0 : i32
          %dma_start3A_158 = tpu.memref_slice %arg4[%dma_start3A_156, %dma_start3A_157] : memref<100x64xf32, #tpu.memory_space<hbm>> -> memref<100x64xf32, #tpu.memory_space<hbm>>
          tpu.enqueue_indirect_dma source(%dma_start3A_158 : memref<100x64xf32, #tpu.memory_space<hbm>>) target(%dma_start3A_152 : memref<128x64xf32, #tpu.memory_space<vmem>>) offsets(%dma_start3A_155 : memref<128xi32, #tpu.memory_space<vmem>>) semaphore(%arg13 : memref<!tpu.dma_semaphore, #tpu.memory_space<semaphore_mem>>)
          %dma_start3A_159 = arith.constant 0 : i32
          %dma_start3A_160 = arith.constant 0 : i32
          %dma_start3A_161 = arith.constant 0 : i32
          %dma_start3A_162 = arith.constant 0 : i32
          %dma_start3A_163 = tpu.memref_slice %arg12[%dma_start3A_160, %dma_start3A_161, %dma_start3A_162] : memref<2x128x16xf32, #tpu.memory_space<vmem>> -> memref<1x128x16xf32, #tpu.memory_space<vmem>>
          %dma_start3A_164 = tpu.memref_squeeze %dma_start3A_163 : memref<1x128x16xf32, #tpu.memory_space<vmem>> -> memref<128x16xf32, #tpu.memory_space<vmem>>
          %dma_start3A_165 = arith.constant 0 : i32
          %dma_start3A_166 = tpu.memref_slice %arg9[%dma_start3A_159, %dma_start3A_165] : memref<2x128xi32, #tpu.memory_space<vmem>> -> memref<1x128xi32, #tpu.memory_space<vmem>>
          %dma_start3A_167 = tpu.memref_squeeze %dma_start3A_166 : memref<1x128xi32, #tpu.memory_space<vmem>> -> memref<128xi32, #tpu.memory_space<vmem>>
          %dma_start3A_168 = arith.constant 0 : i32
          %dma_start3A_169 = arith.constant 0 : i32
          %dma_start3A_170 = tpu.memref_slice %arg5[%dma_start3A_168, %dma_start3A_169] : memref<100x16xf32, #tpu.memory_space<hbm>> -> memref<100x16xf32, #tpu.memory_space<hbm>>
          tpu.enqueue_indirect_dma source(%dma_start3A_170 : memref<100x16xf32, #tpu.memory_space<hbm>>) target(%dma_start3A_164 : memref<128x16xf32, #tpu.memory_space<vmem>>) offsets(%dma_start3A_167 : memref<128xi32, #tpu.memory_space<vmem>>) semaphore(%arg13 : memref<!tpu.dma_semaphore, #tpu.memory_space<semaphore_mem>>)
        } else {
        }
        %dma_wait3A = arith.constant 1 : i32
        %dma_wait3A_86 = arith.constant 1 : i32
        %dma_wait3A_87 = arith.constant 0 : i32
        %dma_wait3A_88 = arith.constant 0 : i32
        %dma_wait3A_89 = tpu.memref_slice %arg10[%dma_wait3A_86, %dma_wait3A_87, %dma_wait3A_88] : memref<2x128x64xf32, #tpu.memory_space<vmem>> -> memref<1x128x64xf32, #tpu.memory_space<vmem>>
        %dma_wait3A_90 = tpu.memref_squeeze %dma_wait3A_89 : memref<1x128x64xf32, #tpu.memory_space<vmem>> -> memref<128x64xf32, #tpu.memory_space<vmem>>
        %dma_wait3A_91 = arith.constant 0 : i32
        %dma_wait3A_92 = tpu.memref_slice %arg9[%dma_wait3A, %dma_wait3A_91] : memref<2x128xi32, #tpu.memory_space<vmem>> -> memref<1x128xi32, #tpu.memory_space<vmem>>
        %dma_wait3A_93 = tpu.memref_squeeze %dma_wait3A_92 : memref<1x128xi32, #tpu.memory_space<vmem>> -> memref<128xi32, #tpu.memory_space<vmem>>
        %dma_wait3A_94 = arith.constant 0 : i32
        %dma_wait3A_95 = arith.constant 0 : i32
        %dma_wait3A_96 = tpu.memref_slice %arg3[%dma_wait3A_94, %dma_wait3A_95] : memref<100x64xf32, #tpu.memory_space<hbm>> -> memref<100x64xf32, #tpu.memory_space<hbm>>
        tpu.wait_indirect_dma semaphore(%arg14 : memref<!tpu.dma_semaphore, #tpu.memory_space<semaphore_mem>>) src(%dma_wait3A_96 : memref<100x64xf32, #tpu.memory_space<hbm>>) dst(%dma_wait3A_90 : memref<128x64xf32, #tpu.memory_space<vmem>>)
        %dma_wait3A_97 = arith.constant 1 : i32
        %dma_wait3A_98 = arith.constant 1 : i32
        %dma_wait3A_99 = arith.constant 0 : i32
        %dma_wait3A_100 = arith.constant 0 : i32
        %dma_wait3A_101 = tpu.memref_slice %arg11[%dma_wait3A_98, %dma_wait3A_99, %dma_wait3A_100] : memref<2x128x64xf32, #tpu.memory_space<vmem>> -> memref<1x128x64xf32, #tpu.memory_space<vmem>>
        %dma_wait3A_102 = tpu.memref_squeeze %dma_wait3A_101 : memref<1x128x64xf32, #tpu.memory_space<vmem>> -> memref<128x64xf32, #tpu.memory_space<vmem>>
        %dma_wait3A_103 = arith.constant 0 : i32
        %dma_wait3A_104 = tpu.memref_slice %arg9[%dma_wait3A_97, %dma_wait3A_103] : memref<2x128xi32, #tpu.memory_space<vmem>> -> memref<1x128xi32, #tpu.memory_space<vmem>>
        %dma_wait3A_105 = tpu.memref_squeeze %dma_wait3A_104 : memref<1x128xi32, #tpu.memory_space<vmem>> -> memref<128xi32, #tpu.memory_space<vmem>>
        %dma_wait3A_106 = arith.constant 0 : i32
        %dma_wait3A_107 = arith.constant 0 : i32
        %dma_wait3A_108 = tpu.memref_slice %arg4[%dma_wait3A_106, %dma_wait3A_107] : memref<100x64xf32, #tpu.memory_space<hbm>> -> memref<100x64xf32, #tpu.memory_space<hbm>>
        tpu.wait_indirect_dma semaphore(%arg14 : memref<!tpu.dma_semaphore, #tpu.memory_space<semaphore_mem>>) src(%dma_wait3A_108 : memref<100x64xf32, #tpu.memory_space<hbm>>) dst(%dma_wait3A_102 : memref<128x64xf32, #tpu.memory_space<vmem>>)
        %dma_wait3A_109 = arith.constant 1 : i32
        %dma_wait3A_110 = arith.constant 1 : i32
        %dma_wait3A_111 = arith.constant 0 : i32
        %dma_wait3A_112 = arith.constant 0 : i32
        %dma_wait3A_113 = tpu.memref_slice %arg12[%dma_wait3A_110, %dma_wait3A_111, %dma_wait3A_112] : memref<2x128x16xf32, #tpu.memory_space<vmem>> -> memref<1x128x16xf32, #tpu.memory_space<vmem>>
        %dma_wait3A_114 = tpu.memref_squeeze %dma_wait3A_113 : memref<1x128x16xf32, #tpu.memory_space<vmem>> -> memref<128x16xf32, #tpu.memory_space<vmem>>
        %dma_wait3A_115 = arith.constant 0 : i32
        %dma_wait3A_116 = tpu.memref_slice %arg9[%dma_wait3A_109, %dma_wait3A_115] : memref<2x128xi32, #tpu.memory_space<vmem>> -> memref<1x128xi32, #tpu.memory_space<vmem>>
        %dma_wait3A_117 = tpu.memref_squeeze %dma_wait3A_116 : memref<1x128xi32, #tpu.memory_space<vmem>> -> memref<128xi32, #tpu.memory_space<vmem>>
        %dma_wait3A_118 = arith.constant 0 : i32
        %dma_wait3A_119 = arith.constant 0 : i32
        %dma_wait3A_120 = tpu.memref_slice %arg5[%dma_wait3A_118, %dma_wait3A_119] : memref<100x16xf32, #tpu.memory_space<hbm>> -> memref<100x16xf32, #tpu.memory_space<hbm>>
        tpu.wait_indirect_dma semaphore(%arg14 : memref<!tpu.dma_semaphore, #tpu.memory_space<semaphore_mem>>) src(%dma_wait3A_120 : memref<100x16xf32, #tpu.memory_space<hbm>>) dst(%dma_wait3A_114 : memref<128x16xf32, #tpu.memory_space<vmem>>)
        %mul3A_121 = arith.constant 32 : i32
        %mul3A_122 = arith.muli %add3A_74, %mul3A_121 : i32
        %add3A_123 = arith.addi %add3A, %mul3A_122 : i32
        %mul3A_124 = arith.constant 128 : i32
        %mul3A_125 = arith.muli %add3A_123, %mul3A_124 : i32
        %run_scoped3A = arith.constant 1 : i32
        "tpu.region"() ({
          %run_scoped3A_128 = tpu.sem_alloc : memref<!tpu.dma_semaphore, #tpu.memory_space<semaphore_mem>>
          %dma_start3A = arith.constant 0 : i32
          %dma_start3A_129 = arith.constant 0 : i32
          %dma_start3A_130 = tpu.memref_slice %arg10[%run_scoped3A, %dma_start3A, %dma_start3A_129] : memref<2x128x64xf32, #tpu.memory_space<vmem>> -> memref<1x128x64xf32, #tpu.memory_space<vmem>>
          %dma_start3A_131 = tpu.memref_squeeze %dma_start3A_130 : memref<1x128x64xf32, #tpu.memory_space<vmem>> -> memref<128x64xf32, #tpu.memory_space<vmem>>
          %dma_start3A_132 = arith.constant 0 : i32
          %dma_start3A_133 = tpu.memref_slice %arg6[%mul3A_125, %dma_start3A_132] : memref<50048x64xf32, #tpu.memory_space<hbm>> -> memref<128x64xf32, #tpu.memory_space<hbm>>
          %dma_start3A_134 = arith.constant 0 : i32
          %dma_start3A_135 = tpu.memref_slice %arg6[%mul3A_125, %dma_start3A_134] : memref<50048x64xf32, #tpu.memory_space<hbm>> -> memref<128x64xf32, #tpu.memory_space<hbm>>
          %dma_start3A_136 = arith.constant 0 : i32
          %dma_start3A_137 = arith.constant 0 : i32
          %dma_start3A_138 = tpu.memref_slice %arg10[%run_scoped3A, %dma_start3A_136, %dma_start3A_137] : memref<2x128x64xf32, #tpu.memory_space<vmem>> -> memref<1x128x64xf32, #tpu.memory_space<vmem>>
          %dma_start3A_139 = tpu.memref_squeeze %dma_start3A_138 : memref<1x128x64xf32, #tpu.memory_space<vmem>> -> memref<128x64xf32, #tpu.memory_space<vmem>>
          tpu.enqueue_dma source(%dma_start3A_139 : memref<128x64xf32, #tpu.memory_space<vmem>>) target(%dma_start3A_135 : memref<128x64xf32, #tpu.memory_space<hbm>>) target_semaphore(%run_scoped3A_128 : memref<!tpu.dma_semaphore, #tpu.memory_space<semaphore_mem>>)
          %dma_wait3A_140 = arith.constant 0 : i32
          %dma_wait3A_141 = arith.constant 0 : i32
          %dma_wait3A_142 = tpu.memref_slice %arg10[%run_scoped3A, %dma_wait3A_140, %dma_wait3A_141] : memref<2x128x64xf32, #tpu.memory_space<vmem>> -> memref<1x128x64xf32, #tpu.memory_space<vmem>>
          %dma_wait3A_143 = tpu.memref_squeeze %dma_wait3A_142 : memref<1x128x64xf32, #tpu.memory_space<vmem>> -> memref<128x64xf32, #tpu.memory_space<vmem>>
          %dma_wait3A_144 = arith.constant 0 : i32
          %dma_wait3A_145 = tpu.memref_slice %arg6[%mul3A_125, %dma_wait3A_144] : memref<50048x64xf32, #tpu.memory_space<hbm>> -> memref<128x64xf32, #tpu.memory_space<hbm>>
          %dma_wait3A_146 = arith.constant 0 : i32
          %dma_wait3A_147 = tpu.memref_slice %arg6[%mul3A_125, %dma_wait3A_146] : memref<50048x64xf32, #tpu.memory_space<hbm>> -> memref<128x64xf32, #tpu.memory_space<hbm>>
          %dma_wait3A_148 = arith.constant 0 : i32
          %dma_wait3A_149 = arith.constant 0 : i32
          %dma_wait3A_150 = tpu.memref_slice %arg10[%run_scoped3A, %dma_wait3A_148, %dma_wait3A_149] : memref<2x128x64xf32, #tpu.memory_space<vmem>> -> memref<1x128x64xf32, #tpu.memory_space<vmem>>
          %dma_wait3A_151 = tpu.memref_squeeze %dma_wait3A_150 : memref<1x128x64xf32, #tpu.memory_space<vmem>> -> memref<128x64xf32, #tpu.memory_space<vmem>>
          tpu.wait_dma2 semaphore(%run_scoped3A_128 : memref<!tpu.dma_semaphore, #tpu.memory_space<semaphore_mem>>) src(%dma_wait3A_151 : memref<128x64xf32, #tpu.memory_space<vmem>>) dst(%dma_wait3A_147 : memref<128x64xf32, #tpu.memory_space<hbm>>)
          tpu.yield
        }) : () -> ()
        %run_scoped3A_126 = arith.constant 1 : i32
        "tpu.region"() ({
          %run_scoped3A_128 = tpu.sem_alloc : memref<!tpu.dma_semaphore, #tpu.memory_space<semaphore_mem>>
          %dma_start3A = arith.constant 0 : i32
          %dma_start3A_129 = arith.constant 0 : i32
          %dma_start3A_130 = tpu.memref_slice %arg11[%run_scoped3A_126, %dma_start3A, %dma_start3A_129] : memref<2x128x64xf32, #tpu.memory_space<vmem>> -> memref<1x128x64xf32, #tpu.memory_space<vmem>>
          %dma_start3A_131 = tpu.memref_squeeze %dma_start3A_130 : memref<1x128x64xf32, #tpu.memory_space<vmem>> -> memref<128x64xf32, #tpu.memory_space<vmem>>
          %dma_start3A_132 = arith.constant 0 : i32
          %dma_start3A_133 = tpu.memref_slice %arg7[%mul3A_125, %dma_start3A_132] : memref<50048x64xf32, #tpu.memory_space<hbm>> -> memref<128x64xf32, #tpu.memory_space<hbm>>
          %dma_start3A_134 = arith.constant 0 : i32
          %dma_start3A_135 = tpu.memref_slice %arg7[%mul3A_125, %dma_start3A_134] : memref<50048x64xf32, #tpu.memory_space<hbm>> -> memref<128x64xf32, #tpu.memory_space<hbm>>
          %dma_start3A_136 = arith.constant 0 : i32
          %dma_start3A_137 = arith.constant 0 : i32
          %dma_start3A_138 = tpu.memref_slice %arg11[%run_scoped3A_126, %dma_start3A_136, %dma_start3A_137] : memref<2x128x64xf32, #tpu.memory_space<vmem>> -> memref<1x128x64xf32, #tpu.memory_space<vmem>>
          %dma_start3A_139 = tpu.memref_squeeze %dma_start3A_138 : memref<1x128x64xf32, #tpu.memory_space<vmem>> -> memref<128x64xf32, #tpu.memory_space<vmem>>
          tpu.enqueue_dma source(%dma_start3A_139 : memref<128x64xf32, #tpu.memory_space<vmem>>) target(%dma_start3A_135 : memref<128x64xf32, #tpu.memory_space<hbm>>) target_semaphore(%run_scoped3A_128 : memref<!tpu.dma_semaphore, #tpu.memory_space<semaphore_mem>>)
          %dma_wait3A_140 = arith.constant 0 : i32
          %dma_wait3A_141 = arith.constant 0 : i32
          %dma_wait3A_142 = tpu.memref_slice %arg11[%run_scoped3A_126, %dma_wait3A_140, %dma_wait3A_141] : memref<2x128x64xf32, #tpu.memory_space<vmem>> -> memref<1x128x64xf32, #tpu.memory_space<vmem>>
          %dma_wait3A_143 = tpu.memref_squeeze %dma_wait3A_142 : memref<1x128x64xf32, #tpu.memory_space<vmem>> -> memref<128x64xf32, #tpu.memory_space<vmem>>
          %dma_wait3A_144 = arith.constant 0 : i32
          %dma_wait3A_145 = tpu.memref_slice %arg7[%mul3A_125, %dma_wait3A_144] : memref<50048x64xf32, #tpu.memory_space<hbm>> -> memref<128x64xf32, #tpu.memory_space<hbm>>
          %dma_wait3A_146 = arith.constant 0 : i32
          %dma_wait3A_147 = tpu.memref_slice %arg7[%mul3A_125, %dma_wait3A_146] : memref<50048x64xf32, #tpu.memory_space<hbm>> -> memref<128x64xf32, #tpu.memory_space<hbm>>
          %dma_wait3A_148 = arith.constant 0 : i32
          %dma_wait3A_149 = arith.constant 0 : i32
          %dma_wait3A_150 = tpu.memref_slice %arg11[%run_scoped3A_126, %dma_wait3A_148, %dma_wait3A_149] : memref<2x128x64xf32, #tpu.memory_space<vmem>> -> memref<1x128x64xf32, #tpu.memory_space<vmem>>
          %dma_wait3A_151 = tpu.memref_squeeze %dma_wait3A_150 : memref<1x128x64xf32, #tpu.memory_space<vmem>> -> memref<128x64xf32, #tpu.memory_space<vmem>>
          tpu.wait_dma2 semaphore(%run_scoped3A_128 : memref<!tpu.dma_semaphore, #tpu.memory_space<semaphore_mem>>) src(%dma_wait3A_151 : memref<128x64xf32, #tpu.memory_space<vmem>>) dst(%dma_wait3A_147 : memref<128x64xf32, #tpu.memory_space<hbm>>)
          tpu.yield
        }) : () -> ()
        %run_scoped3A_127 = arith.constant 1 : i32
        "tpu.region"() ({
          %run_scoped3A_128 = tpu.sem_alloc : memref<!tpu.dma_semaphore, #tpu.memory_space<semaphore_mem>>
          %dma_start3A = arith.constant 0 : i32
          %dma_start3A_129 = arith.constant 0 : i32
          %dma_start3A_130 = tpu.memref_slice %arg12[%run_scoped3A_127, %dma_start3A, %dma_start3A_129] : memref<2x128x16xf32, #tpu.memory_space<vmem>> -> memref<1x128x16xf32, #tpu.memory_space<vmem>>
          %dma_start3A_131 = tpu.memref_squeeze %dma_start3A_130 : memref<1x128x16xf32, #tpu.memory_space<vmem>> -> memref<128x16xf32, #tpu.memory_space<vmem>>
          %dma_start3A_132 = arith.constant 0 : i32
          %dma_start3A_133 = tpu.memref_slice %arg8[%mul3A_125, %dma_start3A_132] : memref<50048x16xf32, #tpu.memory_space<hbm>> -> memref<128x16xf32, #tpu.memory_space<hbm>>
          %dma_start3A_134 = arith.constant 0 : i32
          %dma_start3A_135 = tpu.memref_slice %arg8[%mul3A_125, %dma_start3A_134] : memref<50048x16xf32, #tpu.memory_space<hbm>> -> memref<128x16xf32, #tpu.memory_space<hbm>>
          %dma_start3A_136 = arith.constant 0 : i32
          %dma_start3A_137 = arith.constant 0 : i32
          %dma_start3A_138 = tpu.memref_slice %arg12[%run_scoped3A_127, %dma_start3A_136, %dma_start3A_137] : memref<2x128x16xf32, #tpu.memory_space<vmem>> -> memref<1x128x16xf32, #tpu.memory_space<vmem>>
          %dma_start3A_139 = tpu.memref_squeeze %dma_start3A_138 : memref<1x128x16xf32, #tpu.memory_space<vmem>> -> memref<128x16xf32, #tpu.memory_space<vmem>>
          tpu.enqueue_dma source(%dma_start3A_139 : memref<128x16xf32, #tpu.memory_space<vmem>>) target(%dma_start3A_135 : memref<128x16xf32, #tpu.memory_space<hbm>>) target_semaphore(%run_scoped3A_128 : memref<!tpu.dma_semaphore, #tpu.memory_space<semaphore_mem>>)
          %dma_wait3A_140 = arith.constant 0 : i32
          %dma_wait3A_141 = arith.constant 0 : i32
          %dma_wait3A_142 = tpu.memref_slice %arg12[%run_scoped3A_127, %dma_wait3A_140, %dma_wait3A_141] : memref<2x128x16xf32, #tpu.memory_space<vmem>> -> memref<1x128x16xf32, #tpu.memory_space<vmem>>
          %dma_wait3A_143 = tpu.memref_squeeze %dma_wait3A_142 : memref<1x128x16xf32, #tpu.memory_space<vmem>> -> memref<128x16xf32, #tpu.memory_space<vmem>>
          %dma_wait3A_144 = arith.constant 0 : i32
          %dma_wait3A_145 = tpu.memref_slice %arg8[%mul3A_125, %dma_wait3A_144] : memref<50048x16xf32, #tpu.memory_space<hbm>> -> memref<128x16xf32, #tpu.memory_space<hbm>>
          %dma_wait3A_146 = arith.constant 0 : i32
          %dma_wait3A_147 = tpu.memref_slice %arg8[%mul3A_125, %dma_wait3A_146] : memref<50048x16xf32, #tpu.memory_space<hbm>> -> memref<128x16xf32, #tpu.memory_space<hbm>>
          %dma_wait3A_148 = arith.constant 0 : i32
          %dma_wait3A_149 = arith.constant 0 : i32
          %dma_wait3A_150 = tpu.memref_slice %arg12[%run_scoped3A_127, %dma_wait3A_148, %dma_wait3A_149] : memref<2x128x16xf32, #tpu.memory_space<vmem>> -> memref<1x128x16xf32, #tpu.memory_space<vmem>>
          %dma_wait3A_151 = tpu.memref_squeeze %dma_wait3A_150 : memref<1x128x16xf32, #tpu.memory_space<vmem>> -> memref<128x16xf32, #tpu.memory_space<vmem>>
          tpu.wait_dma2 semaphore(%run_scoped3A_128 : memref<!tpu.dma_semaphore, #tpu.memory_space<semaphore_mem>>) src(%dma_wait3A_151 : memref<128x16xf32, #tpu.memory_space<vmem>>) dst(%dma_wait3A_147 : memref<128x16xf32, #tpu.memory_space<hbm>>)
          tpu.yield
        }) : () -> ()
      } else {
      }
      %while3A_79 = arith.constant 0 : i32
      scf.yield %while3A_79 : i32
    }
    %while3A_60 = arith.constant 1 : i32
    %while3A_61 = scf.for %while3A_62 = %while3A_57 to %while3A_53 step %while3A_60 iter_args(%while3A_63 = %while3A_59) -> (i32)  : i32 {
      %mul3A_64 = arith.constant 2 : i32
      %mul3A_65 = arith.muli %mul3A_64, %while3A_62 : i32
      %add3A_66 = arith.constant 0 : i32
      %add3A_67 = arith.addi %mul3A_65, %add3A_66 : i32
      %lt3A = arith.cmpi slt, %add3A_67, %select_n3A : i32
      %convert_element_type3A_68 = arith.extui %lt3A : i1 to i32
      %cond3A_69 = arith.constant 0 : i32
      %cond3A_70 = arith.cmpi ne, %convert_element_type3A_68, %cond3A_69 : i32
      scf.if %cond3A_70 {
        %add3A_80 = arith.constant 1 : i32
        %add3A_81 = arith.addi %add3A_67, %add3A_80 : i32
        %lt3A_82 = arith.cmpi slt, %add3A_81, %select_n3A : i32
        %convert_element_type3A_83 = arith.extui %lt3A_82 : i1 to i32
        %cond3A_84 = arith.constant 0 : i32
        %cond3A_85 = arith.cmpi ne, %convert_element_type3A_83, %cond3A_84 : i32
        scf.if %cond3A_85 {
          %add3A_128 = arith.constant 1 : i32
          %add3A_129 = arith.addi %add3A_67, %add3A_128 : i32
          %mul3A_130 = arith.constant 32 : i32
          %mul3A_131 = arith.muli %add3A_129, %mul3A_130 : i32
          %add3A_132 = arith.addi %add3A, %mul3A_131 : i32
          %mul3A_133 = arith.constant 128 : i32
          %mul3A_134 = arith.muli %add3A_132, %mul3A_133 : i32
          %run_scoped3A_135 = arith.constant 1 : i32
          "tpu.region"() ({
            %run_scoped3A_171 = tpu.sem_alloc : memref<!tpu.dma_semaphore, #tpu.memory_space<semaphore_mem>>
            %dma_start3A_172 = arith.constant 0 : i32
            %dma_start3A_173 = tpu.memref_slice %arg9[%run_scoped3A_135, %dma_start3A_172] : memref<2x128xi32, #tpu.memory_space<vmem>> -> memref<1x128xi32, #tpu.memory_space<vmem>>
            %dma_start3A_174 = tpu.memref_squeeze %dma_start3A_173 : memref<1x128xi32, #tpu.memory_space<vmem>> -> memref<128xi32, #tpu.memory_space<vmem>>
            %dma_start3A_175 = tpu.memref_slice %arg2[%mul3A_134] : memref<50048xi32, #tpu.memory_space<hbm>> -> memref<128xi32, #tpu.memory_space<hbm>>
            %dma_start3A_176 = arith.constant 0 : i32
            %dma_start3A_177 = tpu.memref_slice %arg9[%run_scoped3A_135, %dma_start3A_176] : memref<2x128xi32, #tpu.memory_space<vmem>> -> memref<1x128xi32, #tpu.memory_space<vmem>>
            %dma_start3A_178 = tpu.memref_squeeze %dma_start3A_177 : memref<1x128xi32, #tpu.memory_space<vmem>> -> memref<128xi32, #tpu.memory_space<vmem>>
            %dma_start3A_179 = tpu.memref_slice %arg2[%mul3A_134] : memref<50048xi32, #tpu.memory_space<hbm>> -> memref<128xi32, #tpu.memory_space<hbm>>
            tpu.enqueue_dma source(%dma_start3A_179 : memref<128xi32, #tpu.memory_space<hbm>>) target(%dma_start3A_178 : memref<128xi32, #tpu.memory_space<vmem>>) target_semaphore(%run_scoped3A_171 : memref<!tpu.dma_semaphore, #tpu.memory_space<semaphore_mem>>)
            %dma_wait3A_180 = arith.constant 0 : i32
            %dma_wait3A_181 = tpu.memref_slice %arg9[%run_scoped3A_135, %dma_wait3A_180] : memref<2x128xi32, #tpu.memory_space<vmem>> -> memref<1x128xi32, #tpu.memory_space<vmem>>
            %dma_wait3A_182 = tpu.memref_squeeze %dma_wait3A_181 : memref<1x128xi32, #tpu.memory_space<vmem>> -> memref<128xi32, #tpu.memory_space<vmem>>
            %dma_wait3A_183 = tpu.memref_slice %arg2[%mul3A_134] : memref<50048xi32, #tpu.memory_space<hbm>> -> memref<128xi32, #tpu.memory_space<hbm>>
            %dma_wait3A_184 = arith.constant 0 : i32
            %dma_wait3A_185 = tpu.memref_slice %arg9[%run_scoped3A_135, %dma_wait3A_184] : memref<2x128xi32, #tpu.memory_space<vmem>> -> memref<1x128xi32, #tpu.memory_space<vmem>>
            %dma_wait3A_186 = tpu.memref_squeeze %dma_wait3A_185 : memref<1x128xi32, #tpu.memory_space<vmem>> -> memref<128xi32, #tpu.memory_space<vmem>>
            %dma_wait3A_187 = tpu.memref_slice %arg2[%mul3A_134] : memref<50048xi32, #tpu.memory_space<hbm>> -> memref<128xi32, #tpu.memory_space<hbm>>
            tpu.wait_dma2 semaphore(%run_scoped3A_171 : memref<!tpu.dma_semaphore, #tpu.memory_space<semaphore_mem>>) src(%dma_wait3A_187 : memref<128xi32, #tpu.memory_space<hbm>>) dst(%dma_wait3A_186 : memref<128xi32, #tpu.memory_space<vmem>>)
            tpu.yield
          }) : () -> ()
          %dma_start3A = arith.constant 1 : i32
          %dma_start3A_136 = arith.constant 1 : i32
          %dma_start3A_137 = arith.constant 0 : i32
          %dma_start3A_138 = arith.constant 0 : i32
          %dma_start3A_139 = tpu.memref_slice %arg10[%dma_start3A_136, %dma_start3A_137, %dma_start3A_138] : memref<2x128x64xf32, #tpu.memory_space<vmem>> -> memref<1x128x64xf32, #tpu.memory_space<vmem>>
          %dma_start3A_140 = tpu.memref_squeeze %dma_start3A_139 : memref<1x128x64xf32, #tpu.memory_space<vmem>> -> memref<128x64xf32, #tpu.memory_space<vmem>>
          %dma_start3A_141 = arith.constant 0 : i32
          %dma_start3A_142 = tpu.memref_slice %arg9[%dma_start3A, %dma_start3A_141] : memref<2x128xi32, #tpu.memory_space<vmem>> -> memref<1x128xi32, #tpu.memory_space<vmem>>
          %dma_start3A_143 = tpu.memref_squeeze %dma_start3A_142 : memref<1x128xi32, #tpu.memory_space<vmem>> -> memref<128xi32, #tpu.memory_space<vmem>>
          %dma_start3A_144 = arith.constant 0 : i32
          %dma_start3A_145 = arith.constant 0 : i32
          %dma_start3A_146 = tpu.memref_slice %arg3[%dma_start3A_144, %dma_start3A_145] : memref<100x64xf32, #tpu.memory_space<hbm>> -> memref<100x64xf32, #tpu.memory_space<hbm>>
          tpu.enqueue_indirect_dma source(%dma_start3A_146 : memref<100x64xf32, #tpu.memory_space<hbm>>) target(%dma_start3A_140 : memref<128x64xf32, #tpu.memory_space<vmem>>) offsets(%dma_start3A_143 : memref<128xi32, #tpu.memory_space<vmem>>) semaphore(%arg14 : memref<!tpu.dma_semaphore, #tpu.memory_space<semaphore_mem>>)
          %dma_start3A_147 = arith.constant 1 : i32
          %dma_start3A_148 = arith.constant 1 : i32
          %dma_start3A_149 = arith.constant 0 : i32
          %dma_start3A_150 = arith.constant 0 : i32
          %dma_start3A_151 = tpu.memref_slice %arg11[%dma_start3A_148, %dma_start3A_149, %dma_start3A_150] : memref<2x128x64xf32, #tpu.memory_space<vmem>> -> memref<1x128x64xf32, #tpu.memory_space<vmem>>
          %dma_start3A_152 = tpu.memref_squeeze %dma_start3A_151 : memref<1x128x64xf32, #tpu.memory_space<vmem>> -> memref<128x64xf32, #tpu.memory_space<vmem>>
          %dma_start3A_153 = arith.constant 0 : i32
          %dma_start3A_154 = tpu.memref_slice %arg9[%dma_start3A_147, %dma_start3A_153] : memref<2x128xi32, #tpu.memory_space<vmem>> -> memref<1x128xi32, #tpu.memory_space<vmem>>
          %dma_start3A_155 = tpu.memref_squeeze %dma_start3A_154 : memref<1x128xi32, #tpu.memory_space<vmem>> -> memref<128xi32, #tpu.memory_space<vmem>>
          %dma_start3A_156 = arith.constant 0 : i32
          %dma_start3A_157 = arith.constant 0 : i32
          %dma_start3A_158 = tpu.memref_slice %arg4[%dma_start3A_156, %dma_start3A_157] : memref<100x64xf32, #tpu.memory_space<hbm>> -> memref<100x64xf32, #tpu.memory_space<hbm>>
          tpu.enqueue_indirect_dma source(%dma_start3A_158 : memref<100x64xf32, #tpu.memory_space<hbm>>) target(%dma_start3A_152 : memref<128x64xf32, #tpu.memory_space<vmem>>) offsets(%dma_start3A_155 : memref<128xi32, #tpu.memory_space<vmem>>) semaphore(%arg14 : memref<!tpu.dma_semaphore, #tpu.memory_space<semaphore_mem>>)
          %dma_start3A_159 = arith.constant 1 : i32
          %dma_start3A_160 = arith.constant 1 : i32
          %dma_start3A_161 = arith.constant 0 : i32
          %dma_start3A_162 = arith.constant 0 : i32
          %dma_start3A_163 = tpu.memref_slice %arg12[%dma_start3A_160, %dma_start3A_161, %dma_start3A_162] : memref<2x128x16xf32, #tpu.memory_space<vmem>> -> memref<1x128x16xf32, #tpu.memory_space<vmem>>
          %dma_start3A_164 = tpu.memref_squeeze %dma_start3A_163 : memref<1x128x16xf32, #tpu.memory_space<vmem>> -> memref<128x16xf32, #tpu.memory_space<vmem>>
          %dma_start3A_165 = arith.constant 0 : i32
          %dma_start3A_166 = tpu.memref_slice %arg9[%dma_start3A_159, %dma_start3A_165] : memref<2x128xi32, #tpu.memory_space<vmem>> -> memref<1x128xi32, #tpu.memory_space<vmem>>
          %dma_start3A_167 = tpu.memref_squeeze %dma_start3A_166 : memref<1x128xi32, #tpu.memory_space<vmem>> -> memref<128xi32, #tpu.memory_space<vmem>>
          %dma_start3A_168 = arith.constant 0 : i32
          %dma_start3A_169 = arith.constant 0 : i32
          %dma_start3A_170 = tpu.memref_slice %arg5[%dma_start3A_168, %dma_start3A_169] : memref<100x16xf32, #tpu.memory_space<hbm>> -> memref<100x16xf32, #tpu.memory_space<hbm>>
          tpu.enqueue_indirect_dma source(%dma_start3A_170 : memref<100x16xf32, #tpu.memory_space<hbm>>) target(%dma_start3A_164 : memref<128x16xf32, #tpu.memory_space<vmem>>) offsets(%dma_start3A_167 : memref<128xi32, #tpu.memory_space<vmem>>) semaphore(%arg14 : memref<!tpu.dma_semaphore, #tpu.memory_space<semaphore_mem>>)
        } else {
        }
        %dma_wait3A = arith.constant 0 : i32
        %dma_wait3A_86 = arith.constant 0 : i32
        %dma_wait3A_87 = arith.constant 0 : i32
        %dma_wait3A_88 = arith.constant 0 : i32
        %dma_wait3A_89 = tpu.memref_slice %arg10[%dma_wait3A_86, %dma_wait3A_87, %dma_wait3A_88] : memref<2x128x64xf32, #tpu.memory_space<vmem>> -> memref<1x128x64xf32, #tpu.memory_space<vmem>>
        %dma_wait3A_90 = tpu.memref_squeeze %dma_wait3A_89 : memref<1x128x64xf32, #tpu.memory_space<vmem>> -> memref<128x64xf32, #tpu.memory_space<vmem>>
        %dma_wait3A_91 = arith.constant 0 : i32
        %dma_wait3A_92 = tpu.memref_slice %arg9[%dma_wait3A, %dma_wait3A_91] : memref<2x128xi32, #tpu.memory_space<vmem>> -> memref<1x128xi32, #tpu.memory_space<vmem>>
        %dma_wait3A_93 = tpu.memref_squeeze %dma_wait3A_92 : memref<1x128xi32, #tpu.memory_space<vmem>> -> memref<128xi32, #tpu.memory_space<vmem>>
        %dma_wait3A_94 = arith.constant 0 : i32
        %dma_wait3A_95 = arith.constant 0 : i32
        %dma_wait3A_96 = tpu.memref_slice %arg3[%dma_wait3A_94, %dma_wait3A_95] : memref<100x64xf32, #tpu.memory_space<hbm>> -> memref<100x64xf32, #tpu.memory_space<hbm>>
        tpu.wait_indirect_dma semaphore(%arg13 : memref<!tpu.dma_semaphore, #tpu.memory_space<semaphore_mem>>) src(%dma_wait3A_96 : memref<100x64xf32, #tpu.memory_space<hbm>>) dst(%dma_wait3A_90 : memref<128x64xf32, #tpu.memory_space<vmem>>)
        %dma_wait3A_97 = arith.constant 0 : i32
        %dma_wait3A_98 = arith.constant 0 : i32
        %dma_wait3A_99 = arith.constant 0 : i32
        %dma_wait3A_100 = arith.constant 0 : i32
        %dma_wait3A_101 = tpu.memref_slice %arg11[%dma_wait3A_98, %dma_wait3A_99, %dma_wait3A_100] : memref<2x128x64xf32, #tpu.memory_space<vmem>> -> memref<1x128x64xf32, #tpu.memory_space<vmem>>
        %dma_wait3A_102 = tpu.memref_squeeze %dma_wait3A_101 : memref<1x128x64xf32, #tpu.memory_space<vmem>> -> memref<128x64xf32, #tpu.memory_space<vmem>>
        %dma_wait3A_103 = arith.constant 0 : i32
        %dma_wait3A_104 = tpu.memref_slice %arg9[%dma_wait3A_97, %dma_wait3A_103] : memref<2x128xi32, #tpu.memory_space<vmem>> -> memref<1x128xi32, #tpu.memory_space<vmem>>
        %dma_wait3A_105 = tpu.memref_squeeze %dma_wait3A_104 : memref<1x128xi32, #tpu.memory_space<vmem>> -> memref<128xi32, #tpu.memory_space<vmem>>
        %dma_wait3A_106 = arith.constant 0 : i32
        %dma_wait3A_107 = arith.constant 0 : i32
        %dma_wait3A_108 = tpu.memref_slice %arg4[%dma_wait3A_106, %dma_wait3A_107] : memref<100x64xf32, #tpu.memory_space<hbm>> -> memref<100x64xf32, #tpu.memory_space<hbm>>
        tpu.wait_indirect_dma semaphore(%arg13 : memref<!tpu.dma_semaphore, #tpu.memory_space<semaphore_mem>>) src(%dma_wait3A_108 : memref<100x64xf32, #tpu.memory_space<hbm>>) dst(%dma_wait3A_102 : memref<128x64xf32, #tpu.memory_space<vmem>>)
        %dma_wait3A_109 = arith.constant 0 : i32
        %dma_wait3A_110 = arith.constant 0 : i32
        %dma_wait3A_111 = arith.constant 0 : i32
        %dma_wait3A_112 = arith.constant 0 : i32
        %dma_wait3A_113 = tpu.memref_slice %arg12[%dma_wait3A_110, %dma_wait3A_111, %dma_wait3A_112] : memref<2x128x16xf32, #tpu.memory_space<vmem>> -> memref<1x128x16xf32, #tpu.memory_space<vmem>>
        %dma_wait3A_114 = tpu.memref_squeeze %dma_wait3A_113 : memref<1x128x16xf32, #tpu.memory_space<vmem>> -> memref<128x16xf32, #tpu.memory_space<vmem>>
        %dma_wait3A_115 = arith.constant 0 : i32
        %dma_wait3A_116 = tpu.memref_slice %arg9[%dma_wait3A_109, %dma_wait3A_115] : memref<2x128xi32, #tpu.memory_space<vmem>> -> memref<1x128xi32, #tpu.memory_space<vmem>>
        %dma_wait3A_117 = tpu.memref_squeeze %dma_wait3A_116 : memref<1x128xi32, #tpu.memory_space<vmem>> -> memref<128xi32, #tpu.memory_space<vmem>>
        %dma_wait3A_118 = arith.constant 0 : i32
        %dma_wait3A_119 = arith.constant 0 : i32
        %dma_wait3A_120 = tpu.memref_slice %arg5[%dma_wait3A_118, %dma_wait3A_119] : memref<100x16xf32, #tpu.memory_space<hbm>> -> memref<100x16xf32, #tpu.memory_space<hbm>>
        tpu.wait_indirect_dma semaphore(%arg13 : memref<!tpu.dma_semaphore, #tpu.memory_space<semaphore_mem>>) src(%dma_wait3A_120 : memref<100x16xf32, #tpu.memory_space<hbm>>) dst(%dma_wait3A_114 : memref<128x16xf32, #tpu.memory_space<vmem>>)
        %mul3A_121 = arith.constant 32 : i32
        %mul3A_122 = arith.muli %add3A_67, %mul3A_121 : i32
        %add3A_123 = arith.addi %add3A, %mul3A_122 : i32
        %mul3A_124 = arith.constant 128 : i32
        %mul3A_125 = arith.muli %add3A_123, %mul3A_124 : i32
        %run_scoped3A = arith.constant 0 : i32
        "tpu.region"() ({
          %run_scoped3A_128 = tpu.sem_alloc : memref<!tpu.dma_semaphore, #tpu.memory_space<semaphore_mem>>
          %dma_start3A = arith.constant 0 : i32
          %dma_start3A_129 = arith.constant 0 : i32
          %dma_start3A_130 = tpu.memref_slice %arg10[%run_scoped3A, %dma_start3A, %dma_start3A_129] : memref<2x128x64xf32, #tpu.memory_space<vmem>> -> memref<1x128x64xf32, #tpu.memory_space<vmem>>
          %dma_start3A_131 = tpu.memref_squeeze %dma_start3A_130 : memref<1x128x64xf32, #tpu.memory_space<vmem>> -> memref<128x64xf32, #tpu.memory_space<vmem>>
          %dma_start3A_132 = arith.constant 0 : i32
          %dma_start3A_133 = tpu.memref_slice %arg6[%mul3A_125, %dma_start3A_132] : memref<50048x64xf32, #tpu.memory_space<hbm>> -> memref<128x64xf32, #tpu.memory_space<hbm>>
          %dma_start3A_134 = arith.constant 0 : i32
          %dma_start3A_135 = tpu.memref_slice %arg6[%mul3A_125, %dma_start3A_134] : memref<50048x64xf32, #tpu.memory_space<hbm>> -> memref<128x64xf32, #tpu.memory_space<hbm>>
          %dma_start3A_136 = arith.constant 0 : i32
          %dma_start3A_137 = arith.constant 0 : i32
          %dma_start3A_138 = tpu.memref_slice %arg10[%run_scoped3A, %dma_start3A_136, %dma_start3A_137] : memref<2x128x64xf32, #tpu.memory_space<vmem>> -> memref<1x128x64xf32, #tpu.memory_space<vmem>>
          %dma_start3A_139 = tpu.memref_squeeze %dma_start3A_138 : memref<1x128x64xf32, #tpu.memory_space<vmem>> -> memref<128x64xf32, #tpu.memory_space<vmem>>
          tpu.enqueue_dma source(%dma_start3A_139 : memref<128x64xf32, #tpu.memory_space<vmem>>) target(%dma_start3A_135 : memref<128x64xf32, #tpu.memory_space<hbm>>) target_semaphore(%run_scoped3A_128 : memref<!tpu.dma_semaphore, #tpu.memory_space<semaphore_mem>>)
          %dma_wait3A_140 = arith.constant 0 : i32
          %dma_wait3A_141 = arith.constant 0 : i32
          %dma_wait3A_142 = tpu.memref_slice %arg10[%run_scoped3A, %dma_wait3A_140, %dma_wait3A_141] : memref<2x128x64xf32, #tpu.memory_space<vmem>> -> memref<1x128x64xf32, #tpu.memory_space<vmem>>
          %dma_wait3A_143 = tpu.memref_squeeze %dma_wait3A_142 : memref<1x128x64xf32, #tpu.memory_space<vmem>> -> memref<128x64xf32, #tpu.memory_space<vmem>>
          %dma_wait3A_144 = arith.constant 0 : i32
          %dma_wait3A_145 = tpu.memref_slice %arg6[%mul3A_125, %dma_wait3A_144] : memref<50048x64xf32, #tpu.memory_space<hbm>> -> memref<128x64xf32, #tpu.memory_space<hbm>>
          %dma_wait3A_146 = arith.constant 0 : i32
          %dma_wait3A_147 = tpu.memref_slice %arg6[%mul3A_125, %dma_wait3A_146] : memref<50048x64xf32, #tpu.memory_space<hbm>> -> memref<128x64xf32, #tpu.memory_space<hbm>>
          %dma_wait3A_148 = arith.constant 0 : i32
          %dma_wait3A_149 = arith.constant 0 : i32
          %dma_wait3A_150 = tpu.memref_slice %arg10[%run_scoped3A, %dma_wait3A_148, %dma_wait3A_149] : memref<2x128x64xf32, #tpu.memory_space<vmem>> -> memref<1x128x64xf32, #tpu.memory_space<vmem>>
          %dma_wait3A_151 = tpu.memref_squeeze %dma_wait3A_150 : memref<1x128x64xf32, #tpu.memory_space<vmem>> -> memref<128x64xf32, #tpu.memory_space<vmem>>
          tpu.wait_dma2 semaphore(%run_scoped3A_128 : memref<!tpu.dma_semaphore, #tpu.memory_space<semaphore_mem>>) src(%dma_wait3A_151 : memref<128x64xf32, #tpu.memory_space<vmem>>) dst(%dma_wait3A_147 : memref<128x64xf32, #tpu.memory_space<hbm>>)
          tpu.yield
        }) : () -> ()
        %run_scoped3A_126 = arith.constant 0 : i32
        "tpu.region"() ({
          %run_scoped3A_128 = tpu.sem_alloc : memref<!tpu.dma_semaphore, #tpu.memory_space<semaphore_mem>>
          %dma_start3A = arith.constant 0 : i32
          %dma_start3A_129 = arith.constant 0 : i32
          %dma_start3A_130 = tpu.memref_slice %arg11[%run_scoped3A_126, %dma_start3A, %dma_start3A_129] : memref<2x128x64xf32, #tpu.memory_space<vmem>> -> memref<1x128x64xf32, #tpu.memory_space<vmem>>
          %dma_start3A_131 = tpu.memref_squeeze %dma_start3A_130 : memref<1x128x64xf32, #tpu.memory_space<vmem>> -> memref<128x64xf32, #tpu.memory_space<vmem>>
          %dma_start3A_132 = arith.constant 0 : i32
          %dma_start3A_133 = tpu.memref_slice %arg7[%mul3A_125, %dma_start3A_132] : memref<50048x64xf32, #tpu.memory_space<hbm>> -> memref<128x64xf32, #tpu.memory_space<hbm>>
          %dma_start3A_134 = arith.constant 0 : i32
          %dma_start3A_135 = tpu.memref_slice %arg7[%mul3A_125, %dma_start3A_134] : memref<50048x64xf32, #tpu.memory_space<hbm>> -> memref<128x64xf32, #tpu.memory_space<hbm>>
          %dma_start3A_136 = arith.constant 0 : i32
          %dma_start3A_137 = arith.constant 0 : i32
          %dma_start3A_138 = tpu.memref_slice %arg11[%run_scoped3A_126, %dma_start3A_136, %dma_start3A_137] : memref<2x128x64xf32, #tpu.memory_space<vmem>> -> memref<1x128x64xf32, #tpu.memory_space<vmem>>
          %dma_start3A_139 = tpu.memref_squeeze %dma_start3A_138 : memref<1x128x64xf32, #tpu.memory_space<vmem>> -> memref<128x64xf32, #tpu.memory_space<vmem>>
          tpu.enqueue_dma source(%dma_start3A_139 : memref<128x64xf32, #tpu.memory_space<vmem>>) target(%dma_start3A_135 : memref<128x64xf32, #tpu.memory_space<hbm>>) target_semaphore(%run_scoped3A_128 : memref<!tpu.dma_semaphore, #tpu.memory_space<semaphore_mem>>)
          %dma_wait3A_140 = arith.constant 0 : i32
          %dma_wait3A_141 = arith.constant 0 : i32
          %dma_wait3A_142 = tpu.memref_slice %arg11[%run_scoped3A_126, %dma_wait3A_140, %dma_wait3A_141] : memref<2x128x64xf32, #tpu.memory_space<vmem>> -> memref<1x128x64xf32, #tpu.memory_space<vmem>>
          %dma_wait3A_143 = tpu.memref_squeeze %dma_wait3A_142 : memref<1x128x64xf32, #tpu.memory_space<vmem>> -> memref<128x64xf32, #tpu.memory_space<vmem>>
          %dma_wait3A_144 = arith.constant 0 : i32
          %dma_wait3A_145 = tpu.memref_slice %arg7[%mul3A_125, %dma_wait3A_144] : memref<50048x64xf32, #tpu.memory_space<hbm>> -> memref<128x64xf32, #tpu.memory_space<hbm>>
          %dma_wait3A_146 = arith.constant 0 : i32
          %dma_wait3A_147 = tpu.memref_slice %arg7[%mul3A_125, %dma_wait3A_146] : memref<50048x64xf32, #tpu.memory_space<hbm>> -> memref<128x64xf32, #tpu.memory_space<hbm>>
          %dma_wait3A_148 = arith.constant 0 : i32
          %dma_wait3A_149 = arith.constant 0 : i32
          %dma_wait3A_150 = tpu.memref_slice %arg11[%run_scoped3A_126, %dma_wait3A_148, %dma_wait3A_149] : memref<2x128x64xf32, #tpu.memory_space<vmem>> -> memref<1x128x64xf32, #tpu.memory_space<vmem>>
          %dma_wait3A_151 = tpu.memref_squeeze %dma_wait3A_150 : memref<1x128x64xf32, #tpu.memory_space<vmem>> -> memref<128x64xf32, #tpu.memory_space<vmem>>
          tpu.wait_dma2 semaphore(%run_scoped3A_128 : memref<!tpu.dma_semaphore, #tpu.memory_space<semaphore_mem>>) src(%dma_wait3A_151 : memref<128x64xf32, #tpu.memory_space<vmem>>) dst(%dma_wait3A_147 : memref<128x64xf32, #tpu.memory_space<hbm>>)
          tpu.yield
        }) : () -> ()
        %run_scoped3A_127 = arith.constant 0 : i32
        "tpu.region"() ({
          %run_scoped3A_128 = tpu.sem_alloc : memref<!tpu.dma_semaphore, #tpu.memory_space<semaphore_mem>>
          %dma_start3A = arith.constant 0 : i32
          %dma_start3A_129 = arith.constant 0 : i32
          %dma_start3A_130 = tpu.memref_slice %arg12[%run_scoped3A_127, %dma_start3A, %dma_start3A_129] : memref<2x128x16xf32, #tpu.memory_space<vmem>> -> memref<1x128x16xf32, #tpu.memory_space<vmem>>
          %dma_start3A_131 = tpu.memref_squeeze %dma_start3A_130 : memref<1x128x16xf32, #tpu.memory_space<vmem>> -> memref<128x16xf32, #tpu.memory_space<vmem>>
          %dma_start3A_132 = arith.constant 0 : i32
          %dma_start3A_133 = tpu.memref_slice %arg8[%mul3A_125, %dma_start3A_132] : memref<50048x16xf32, #tpu.memory_space<hbm>> -> memref<128x16xf32, #tpu.memory_space<hbm>>
          %dma_start3A_134 = arith.constant 0 : i32
          %dma_start3A_135 = tpu.memref_slice %arg8[%mul3A_125, %dma_start3A_134] : memref<50048x16xf32, #tpu.memory_space<hbm>> -> memref<128x16xf32, #tpu.memory_space<hbm>>
          %dma_start3A_136 = arith.constant 0 : i32
          %dma_start3A_137 = arith.constant 0 : i32
          %dma_start3A_138 = tpu.memref_slice %arg12[%run_scoped3A_127, %dma_start3A_136, %dma_start3A_137] : memref<2x128x16xf32, #tpu.memory_space<vmem>> -> memref<1x128x16xf32, #tpu.memory_space<vmem>>
          %dma_start3A_139 = tpu.memref_squeeze %dma_start3A_138 : memref<1x128x16xf32, #tpu.memory_space<vmem>> -> memref<128x16xf32, #tpu.memory_space<vmem>>
          tpu.enqueue_dma source(%dma_start3A_139 : memref<128x16xf32, #tpu.memory_space<vmem>>) target(%dma_start3A_135 : memref<128x16xf32, #tpu.memory_space<hbm>>) target_semaphore(%run_scoped3A_128 : memref<!tpu.dma_semaphore, #tpu.memory_space<semaphore_mem>>)
          %dma_wait3A_140 = arith.constant 0 : i32
          %dma_wait3A_141 = arith.constant 0 : i32
          %dma_wait3A_142 = tpu.memref_slice %arg12[%run_scoped3A_127, %dma_wait3A_140, %dma_wait3A_141] : memref<2x128x16xf32, #tpu.memory_space<vmem>> -> memref<1x128x16xf32, #tpu.memory_space<vmem>>
          %dma_wait3A_143 = tpu.memref_squeeze %dma_wait3A_142 : memref<1x128x16xf32, #tpu.memory_space<vmem>> -> memref<128x16xf32, #tpu.memory_space<vmem>>
          %dma_wait3A_144 = arith.constant 0 : i32
          %dma_wait3A_145 = tpu.memref_slice %arg8[%mul3A_125, %dma_wait3A_144] : memref<50048x16xf32, #tpu.memory_space<hbm>> -> memref<128x16xf32, #tpu.memory_space<hbm>>
          %dma_wait3A_146 = arith.constant 0 : i32
          %dma_wait3A_147 = tpu.memref_slice %arg8[%mul3A_125, %dma_wait3A_146] : memref<50048x16xf32, #tpu.memory_space<hbm>> -> memref<128x16xf32, #tpu.memory_space<hbm>>
          %dma_wait3A_148 = arith.constant 0 : i32
          %dma_wait3A_149 = arith.constant 0 : i32
          %dma_wait3A_150 = tpu.memref_slice %arg12[%run_scoped3A_127, %dma_wait3A_148, %dma_wait3A_149] : memref<2x128x16xf32, #tpu.memory_space<vmem>> -> memref<1x128x16xf32, #tpu.memory_space<vmem>>
          %dma_wait3A_151 = tpu.memref_squeeze %dma_wait3A_150 : memref<1x128x16xf32, #tpu.memory_space<vmem>> -> memref<128x16xf32, #tpu.memory_space<vmem>>
          tpu.wait_dma2 semaphore(%run_scoped3A_128 : memref<!tpu.dma_semaphore, #tpu.memory_space<semaphore_mem>>) src(%dma_wait3A_151 : memref<128x16xf32, #tpu.memory_space<vmem>>) dst(%dma_wait3A_147 : memref<128x16xf32, #tpu.memory_space<hbm>>)
          tpu.yield
        }) : () -> ()
      } else {
      }
      %mul3A_71 = arith.constant 2 : i32
      %mul3A_72 = arith.muli %mul3A_71, %while3A_62 : i32
      %add3A_73 = arith.constant 1 : i32
      %add3A_74 = arith.addi %mul3A_72, %add3A_73 : i32
      %lt3A_75 = arith.cmpi slt, %add3A_74, %select_n3A : i32
      %convert_element_type3A_76 = arith.extui %lt3A_75 : i1 to i32
      %cond3A_77 = arith.constant 0 : i32
      %cond3A_78 = arith.cmpi ne, %convert_element_type3A_76, %cond3A_77 : i32
      scf.if %cond3A_78 {
        %add3A_80 = arith.constant 1 : i32
        %add3A_81 = arith.addi %add3A_74, %add3A_80 : i32
        %lt3A_82 = arith.cmpi slt, %add3A_81, %select_n3A : i32
        %convert_element_type3A_83 = arith.extui %lt3A_82 : i1 to i32
        %cond3A_84 = arith.constant 0 : i32
        %cond3A_85 = arith.cmpi ne, %convert_element_type3A_83, %cond3A_84 : i32
        scf.if %cond3A_85 {
          %add3A_128 = arith.constant 1 : i32
          %add3A_129 = arith.addi %add3A_74, %add3A_128 : i32
          %mul3A_130 = arith.constant 32 : i32
          %mul3A_131 = arith.muli %add3A_129, %mul3A_130 : i32
          %add3A_132 = arith.addi %add3A, %mul3A_131 : i32
          %mul3A_133 = arith.constant 128 : i32
          %mul3A_134 = arith.muli %add3A_132, %mul3A_133 : i32
          %run_scoped3A_135 = arith.constant 0 : i32
          "tpu.region"() ({
            %run_scoped3A_171 = tpu.sem_alloc : memref<!tpu.dma_semaphore, #tpu.memory_space<semaphore_mem>>
            %dma_start3A_172 = arith.constant 0 : i32
            %dma_start3A_173 = tpu.memref_slice %arg9[%run_scoped3A_135, %dma_start3A_172] : memref<2x128xi32, #tpu.memory_space<vmem>> -> memref<1x128xi32, #tpu.memory_space<vmem>>
            %dma_start3A_174 = tpu.memref_squeeze %dma_start3A_173 : memref<1x128xi32, #tpu.memory_space<vmem>> -> memref<128xi32, #tpu.memory_space<vmem>>
            %dma_start3A_175 = tpu.memref_slice %arg2[%mul3A_134] : memref<50048xi32, #tpu.memory_space<hbm>> -> memref<128xi32, #tpu.memory_space<hbm>>
            %dma_start3A_176 = arith.constant 0 : i32
            %dma_start3A_177 = tpu.memref_slice %arg9[%run_scoped3A_135, %dma_start3A_176] : memref<2x128xi32, #tpu.memory_space<vmem>> -> memref<1x128xi32, #tpu.memory_space<vmem>>
            %dma_start3A_178 = tpu.memref_squeeze %dma_start3A_177 : memref<1x128xi32, #tpu.memory_space<vmem>> -> memref<128xi32, #tpu.memory_space<vmem>>
            %dma_start3A_179 = tpu.memref_slice %arg2[%mul3A_134] : memref<50048xi32, #tpu.memory_space<hbm>> -> memref<128xi32, #tpu.memory_space<hbm>>
            tpu.enqueue_dma source(%dma_start3A_179 : memref<128xi32, #tpu.memory_space<hbm>>) target(%dma_start3A_178 : memref<128xi32, #tpu.memory_space<vmem>>) target_semaphore(%run_scoped3A_171 : memref<!tpu.dma_semaphore, #tpu.memory_space<semaphore_mem>>)
            %dma_wait3A_180 = arith.constant 0 : i32
            %dma_wait3A_181 = tpu.memref_slice %arg9[%run_scoped3A_135, %dma_wait3A_180] : memref<2x128xi32, #tpu.memory_space<vmem>> -> memref<1x128xi32, #tpu.memory_space<vmem>>
            %dma_wait3A_182 = tpu.memref_squeeze %dma_wait3A_181 : memref<1x128xi32, #tpu.memory_space<vmem>> -> memref<128xi32, #tpu.memory_space<vmem>>
            %dma_wait3A_183 = tpu.memref_slice %arg2[%mul3A_134] : memref<50048xi32, #tpu.memory_space<hbm>> -> memref<128xi32, #tpu.memory_space<hbm>>
            %dma_wait3A_184 = arith.constant 0 : i32
            %dma_wait3A_185 = tpu.memref_slice %arg9[%run_scoped3A_135, %dma_wait3A_184] : memref<2x128xi32, #tpu.memory_space<vmem>> -> memref<1x128xi32, #tpu.memory_space<vmem>>
            %dma_wait3A_186 = tpu.memref_squeeze %dma_wait3A_185 : memref<1x128xi32, #tpu.memory_space<vmem>> -> memref<128xi32, #tpu.memory_space<vmem>>
            %dma_wait3A_187 = tpu.memref_slice %arg2[%mul3A_134] : memref<50048xi32, #tpu.memory_space<hbm>> -> memref<128xi32, #tpu.memory_space<hbm>>
            tpu.wait_dma2 semaphore(%run_scoped3A_171 : memref<!tpu.dma_semaphore, #tpu.memory_space<semaphore_mem>>) src(%dma_wait3A_187 : memref<128xi32, #tpu.memory_space<hbm>>) dst(%dma_wait3A_186 : memref<128xi32, #tpu.memory_space<vmem>>)
            tpu.yield
          }) : () -> ()
          %dma_start3A = arith.constant 0 : i32
          %dma_start3A_136 = arith.constant 0 : i32
          %dma_start3A_137 = arith.constant 0 : i32
          %dma_start3A_138 = arith.constant 0 : i32
          %dma_start3A_139 = tpu.memref_slice %arg10[%dma_start3A_136, %dma_start3A_137, %dma_start3A_138] : memref<2x128x64xf32, #tpu.memory_space<vmem>> -> memref<1x128x64xf32, #tpu.memory_space<vmem>>
          %dma_start3A_140 = tpu.memref_squeeze %dma_start3A_139 : memref<1x128x64xf32, #tpu.memory_space<vmem>> -> memref<128x64xf32, #tpu.memory_space<vmem>>
          %dma_start3A_141 = arith.constant 0 : i32
          %dma_start3A_142 = tpu.memref_slice %arg9[%dma_start3A, %dma_start3A_141] : memref<2x128xi32, #tpu.memory_space<vmem>> -> memref<1x128xi32, #tpu.memory_space<vmem>>
          %dma_start3A_143 = tpu.memref_squeeze %dma_start3A_142 : memref<1x128xi32, #tpu.memory_space<vmem>> -> memref<128xi32, #tpu.memory_space<vmem>>
          %dma_start3A_144 = arith.constant 0 : i32
          %dma_start3A_145 = arith.constant 0 : i32
          %dma_start3A_146 = tpu.memref_slice %arg3[%dma_start3A_144, %dma_start3A_145] : memref<100x64xf32, #tpu.memory_space<hbm>> -> memref<100x64xf32, #tpu.memory_space<hbm>>
          tpu.enqueue_indirect_dma source(%dma_start3A_146 : memref<100x64xf32, #tpu.memory_space<hbm>>) target(%dma_start3A_140 : memref<128x64xf32, #tpu.memory_space<vmem>>) offsets(%dma_start3A_143 : memref<128xi32, #tpu.memory_space<vmem>>) semaphore(%arg13 : memref<!tpu.dma_semaphore, #tpu.memory_space<semaphore_mem>>)
          %dma_start3A_147 = arith.constant 0 : i32
          %dma_start3A_148 = arith.constant 0 : i32
          %dma_start3A_149 = arith.constant 0 : i32
          %dma_start3A_150 = arith.constant 0 : i32
          %dma_start3A_151 = tpu.memref_slice %arg11[%dma_start3A_148, %dma_start3A_149, %dma_start3A_150] : memref<2x128x64xf32, #tpu.memory_space<vmem>> -> memref<1x128x64xf32, #tpu.memory_space<vmem>>
          %dma_start3A_152 = tpu.memref_squeeze %dma_start3A_151 : memref<1x128x64xf32, #tpu.memory_space<vmem>> -> memref<128x64xf32, #tpu.memory_space<vmem>>
          %dma_start3A_153 = arith.constant 0 : i32
          %dma_start3A_154 = tpu.memref_slice %arg9[%dma_start3A_147, %dma_start3A_153] : memref<2x128xi32, #tpu.memory_space<vmem>> -> memref<1x128xi32, #tpu.memory_space<vmem>>
          %dma_start3A_155 = tpu.memref_squeeze %dma_start3A_154 : memref<1x128xi32, #tpu.memory_space<vmem>> -> memref<128xi32, #tpu.memory_space<vmem>>
          %dma_start3A_156 = arith.constant 0 : i32
          %dma_start3A_157 = arith.constant 0 : i32
          %dma_start3A_158 = tpu.memref_slice %arg4[%dma_start3A_156, %dma_start3A_157] : memref<100x64xf32, #tpu.memory_space<hbm>> -> memref<100x64xf32, #tpu.memory_space<hbm>>
          tpu.enqueue_indirect_dma source(%dma_start3A_158 : memref<100x64xf32, #tpu.memory_space<hbm>>) target(%dma_start3A_152 : memref<128x64xf32, #tpu.memory_space<vmem>>) offsets(%dma_start3A_155 : memref<128xi32, #tpu.memory_space<vmem>>) semaphore(%arg13 : memref<!tpu.dma_semaphore, #tpu.memory_space<semaphore_mem>>)
          %dma_start3A_159 = arith.constant 0 : i32
          %dma_start3A_160 = arith.constant 0 : i32
          %dma_start3A_161 = arith.constant 0 : i32
          %dma_start3A_162 = arith.constant 0 : i32
          %dma_start3A_163 = tpu.memref_slice %arg12[%dma_start3A_160, %dma_start3A_161, %dma_start3A_162] : memref<2x128x16xf32, #tpu.memory_space<vmem>> -> memref<1x128x16xf32, #tpu.memory_space<vmem>>
          %dma_start3A_164 = tpu.memref_squeeze %dma_start3A_163 : memref<1x128x16xf32, #tpu.memory_space<vmem>> -> memref<128x16xf32, #tpu.memory_space<vmem>>
          %dma_start3A_165 = arith.constant 0 : i32
          %dma_start3A_166 = tpu.memref_slice %arg9[%dma_start3A_159, %dma_start3A_165] : memref<2x128xi32, #tpu.memory_space<vmem>> -> memref<1x128xi32, #tpu.memory_space<vmem>>
          %dma_start3A_167 = tpu.memref_squeeze %dma_start3A_166 : memref<1x128xi32, #tpu.memory_space<vmem>> -> memref<128xi32, #tpu.memory_space<vmem>>
          %dma_start3A_168 = arith.constant 0 : i32
          %dma_start3A_169 = arith.constant 0 : i32
          %dma_start3A_170 = tpu.memref_slice %arg5[%dma_start3A_168, %dma_start3A_169] : memref<100x16xf32, #tpu.memory_space<hbm>> -> memref<100x16xf32, #tpu.memory_space<hbm>>
          tpu.enqueue_indirect_dma source(%dma_start3A_170 : memref<100x16xf32, #tpu.memory_space<hbm>>) target(%dma_start3A_164 : memref<128x16xf32, #tpu.memory_space<vmem>>) offsets(%dma_start3A_167 : memref<128xi32, #tpu.memory_space<vmem>>) semaphore(%arg13 : memref<!tpu.dma_semaphore, #tpu.memory_space<semaphore_mem>>)
        } else {
        }
        %dma_wait3A = arith.constant 1 : i32
        %dma_wait3A_86 = arith.constant 1 : i32
        %dma_wait3A_87 = arith.constant 0 : i32
        %dma_wait3A_88 = arith.constant 0 : i32
        %dma_wait3A_89 = tpu.memref_slice %arg10[%dma_wait3A_86, %dma_wait3A_87, %dma_wait3A_88] : memref<2x128x64xf32, #tpu.memory_space<vmem>> -> memref<1x128x64xf32, #tpu.memory_space<vmem>>
        %dma_wait3A_90 = tpu.memref_squeeze %dma_wait3A_89 : memref<1x128x64xf32, #tpu.memory_space<vmem>> -> memref<128x64xf32, #tpu.memory_space<vmem>>
        %dma_wait3A_91 = arith.constant 0 : i32
        %dma_wait3A_92 = tpu.memref_slice %arg9[%dma_wait3A, %dma_wait3A_91] : memref<2x128xi32, #tpu.memory_space<vmem>> -> memref<1x128xi32, #tpu.memory_space<vmem>>
        %dma_wait3A_93 = tpu.memref_squeeze %dma_wait3A_92 : memref<1x128xi32, #tpu.memory_space<vmem>> -> memref<128xi32, #tpu.memory_space<vmem>>
        %dma_wait3A_94 = arith.constant 0 : i32
        %dma_wait3A_95 = arith.constant 0 : i32
        %dma_wait3A_96 = tpu.memref_slice %arg3[%dma_wait3A_94, %dma_wait3A_95] : memref<100x64xf32, #tpu.memory_space<hbm>> -> memref<100x64xf32, #tpu.memory_space<hbm>>
        tpu.wait_indirect_dma semaphore(%arg14 : memref<!tpu.dma_semaphore, #tpu.memory_space<semaphore_mem>>) src(%dma_wait3A_96 : memref<100x64xf32, #tpu.memory_space<hbm>>) dst(%dma_wait3A_90 : memref<128x64xf32, #tpu.memory_space<vmem>>)
        %dma_wait3A_97 = arith.constant 1 : i32
        %dma_wait3A_98 = arith.constant 1 : i32
        %dma_wait3A_99 = arith.constant 0 : i32
        %dma_wait3A_100 = arith.constant 0 : i32
        %dma_wait3A_101 = tpu.memref_slice %arg11[%dma_wait3A_98, %dma_wait3A_99, %dma_wait3A_100] : memref<2x128x64xf32, #tpu.memory_space<vmem>> -> memref<1x128x64xf32, #tpu.memory_space<vmem>>
        %dma_wait3A_102 = tpu.memref_squeeze %dma_wait3A_101 : memref<1x128x64xf32, #tpu.memory_space<vmem>> -> memref<128x64xf32, #tpu.memory_space<vmem>>
        %dma_wait3A_103 = arith.constant 0 : i32
        %dma_wait3A_104 = tpu.memref_slice %arg9[%dma_wait3A_97, %dma_wait3A_103] : memref<2x128xi32, #tpu.memory_space<vmem>> -> memref<1x128xi32, #tpu.memory_space<vmem>>
        %dma_wait3A_105 = tpu.memref_squeeze %dma_wait3A_104 : memref<1x128xi32, #tpu.memory_space<vmem>> -> memref<128xi32, #tpu.memory_space<vmem>>
        %dma_wait3A_106 = arith.constant 0 : i32
        %dma_wait3A_107 = arith.constant 0 : i32
        %dma_wait3A_108 = tpu.memref_slice %arg4[%dma_wait3A_106, %dma_wait3A_107] : memref<100x64xf32, #tpu.memory_space<hbm>> -> memref<100x64xf32, #tpu.memory_space<hbm>>
        tpu.wait_indirect_dma semaphore(%arg14 : memref<!tpu.dma_semaphore, #tpu.memory_space<semaphore_mem>>) src(%dma_wait3A_108 : memref<100x64xf32, #tpu.memory_space<hbm>>) dst(%dma_wait3A_102 : memref<128x64xf32, #tpu.memory_space<vmem>>)
        %dma_wait3A_109 = arith.constant 1 : i32
        %dma_wait3A_110 = arith.constant 1 : i32
        %dma_wait3A_111 = arith.constant 0 : i32
        %dma_wait3A_112 = arith.constant 0 : i32
        %dma_wait3A_113 = tpu.memref_slice %arg12[%dma_wait3A_110, %dma_wait3A_111, %dma_wait3A_112] : memref<2x128x16xf32, #tpu.memory_space<vmem>> -> memref<1x128x16xf32, #tpu.memory_space<vmem>>
        %dma_wait3A_114 = tpu.memref_squeeze %dma_wait3A_113 : memref<1x128x16xf32, #tpu.memory_space<vmem>> -> memref<128x16xf32, #tpu.memory_space<vmem>>
        %dma_wait3A_115 = arith.constant 0 : i32
        %dma_wait3A_116 = tpu.memref_slice %arg9[%dma_wait3A_109, %dma_wait3A_115] : memref<2x128xi32, #tpu.memory_space<vmem>> -> memref<1x128xi32, #tpu.memory_space<vmem>>
        %dma_wait3A_117 = tpu.memref_squeeze %dma_wait3A_116 : memref<1x128xi32, #tpu.memory_space<vmem>> -> memref<128xi32, #tpu.memory_space<vmem>>
        %dma_wait3A_118 = arith.constant 0 : i32
        %dma_wait3A_119 = arith.constant 0 : i32
        %dma_wait3A_120 = tpu.memref_slice %arg5[%dma_wait3A_118, %dma_wait3A_119] : memref<100x16xf32, #tpu.memory_space<hbm>> -> memref<100x16xf32, #tpu.memory_space<hbm>>
        tpu.wait_indirect_dma semaphore(%arg14 : memref<!tpu.dma_semaphore, #tpu.memory_space<semaphore_mem>>) src(%dma_wait3A_120 : memref<100x16xf32, #tpu.memory_space<hbm>>) dst(%dma_wait3A_114 : memref<128x16xf32, #tpu.memory_space<vmem>>)
        %mul3A_121 = arith.constant 32 : i32
        %mul3A_122 = arith.muli %add3A_74, %mul3A_121 : i32
        %add3A_123 = arith.addi %add3A, %mul3A_122 : i32
        %mul3A_124 = arith.constant 128 : i32
        %mul3A_125 = arith.muli %add3A_123, %mul3A_124 : i32
        %run_scoped3A = arith.constant 1 : i32
        "tpu.region"() ({
          %run_scoped3A_128 = tpu.sem_alloc : memref<!tpu.dma_semaphore, #tpu.memory_space<semaphore_mem>>
          %dma_start3A = arith.constant 0 : i32
          %dma_start3A_129 = arith.constant 0 : i32
          %dma_start3A_130 = tpu.memref_slice %arg10[%run_scoped3A, %dma_start3A, %dma_start3A_129] : memref<2x128x64xf32, #tpu.memory_space<vmem>> -> memref<1x128x64xf32, #tpu.memory_space<vmem>>
          %dma_start3A_131 = tpu.memref_squeeze %dma_start3A_130 : memref<1x128x64xf32, #tpu.memory_space<vmem>> -> memref<128x64xf32, #tpu.memory_space<vmem>>
          %dma_start3A_132 = arith.constant 0 : i32
          %dma_start3A_133 = tpu.memref_slice %arg6[%mul3A_125, %dma_start3A_132] : memref<50048x64xf32, #tpu.memory_space<hbm>> -> memref<128x64xf32, #tpu.memory_space<hbm>>
          %dma_start3A_134 = arith.constant 0 : i32
          %dma_start3A_135 = tpu.memref_slice %arg6[%mul3A_125, %dma_start3A_134] : memref<50048x64xf32, #tpu.memory_space<hbm>> -> memref<128x64xf32, #tpu.memory_space<hbm>>
          %dma_start3A_136 = arith.constant 0 : i32
          %dma_start3A_137 = arith.constant 0 : i32
          %dma_start3A_138 = tpu.memref_slice %arg10[%run_scoped3A, %dma_start3A_136, %dma_start3A_137] : memref<2x128x64xf32, #tpu.memory_space<vmem>> -> memref<1x128x64xf32, #tpu.memory_space<vmem>>
          %dma_start3A_139 = tpu.memref_squeeze %dma_start3A_138 : memref<1x128x64xf32, #tpu.memory_space<vmem>> -> memref<128x64xf32, #tpu.memory_space<vmem>>
          tpu.enqueue_dma source(%dma_start3A_139 : memref<128x64xf32, #tpu.memory_space<vmem>>) target(%dma_start3A_135 : memref<128x64xf32, #tpu.memory_space<hbm>>) target_semaphore(%run_scoped3A_128 : memref<!tpu.dma_semaphore, #tpu.memory_space<semaphore_mem>>)
          %dma_wait3A_140 = arith.constant 0 : i32
          %dma_wait3A_141 = arith.constant 0 : i32
          %dma_wait3A_142 = tpu.memref_slice %arg10[%run_scoped3A, %dma_wait3A_140, %dma_wait3A_141] : memref<2x128x64xf32, #tpu.memory_space<vmem>> -> memref<1x128x64xf32, #tpu.memory_space<vmem>>
          %dma_wait3A_143 = tpu.memref_squeeze %dma_wait3A_142 : memref<1x128x64xf32, #tpu.memory_space<vmem>> -> memref<128x64xf32, #tpu.memory_space<vmem>>
          %dma_wait3A_144 = arith.constant 0 : i32
          %dma_wait3A_145 = tpu.memref_slice %arg6[%mul3A_125, %dma_wait3A_144] : memref<50048x64xf32, #tpu.memory_space<hbm>> -> memref<128x64xf32, #tpu.memory_space<hbm>>
          %dma_wait3A_146 = arith.constant 0 : i32
          %dma_wait3A_147 = tpu.memref_slice %arg6[%mul3A_125, %dma_wait3A_146] : memref<50048x64xf32, #tpu.memory_space<hbm>> -> memref<128x64xf32, #tpu.memory_space<hbm>>
          %dma_wait3A_148 = arith.constant 0 : i32
          %dma_wait3A_149 = arith.constant 0 : i32
          %dma_wait3A_150 = tpu.memref_slice %arg10[%run_scoped3A, %dma_wait3A_148, %dma_wait3A_149] : memref<2x128x64xf32, #tpu.memory_space<vmem>> -> memref<1x128x64xf32, #tpu.memory_space<vmem>>
          %dma_wait3A_151 = tpu.memref_squeeze %dma_wait3A_150 : memref<1x128x64xf32, #tpu.memory_space<vmem>> -> memref<128x64xf32, #tpu.memory_space<vmem>>
          tpu.wait_dma2 semaphore(%run_scoped3A_128 : memref<!tpu.dma_semaphore, #tpu.memory_space<semaphore_mem>>) src(%dma_wait3A_151 : memref<128x64xf32, #tpu.memory_space<vmem>>) dst(%dma_wait3A_147 : memref<128x64xf32, #tpu.memory_space<hbm>>)
          tpu.yield
        }) : () -> ()
        %run_scoped3A_126 = arith.constant 1 : i32
        "tpu.region"() ({
          %run_scoped3A_128 = tpu.sem_alloc : memref<!tpu.dma_semaphore, #tpu.memory_space<semaphore_mem>>
          %dma_start3A = arith.constant 0 : i32
          %dma_start3A_129 = arith.constant 0 : i32
          %dma_start3A_130 = tpu.memref_slice %arg11[%run_scoped3A_126, %dma_start3A, %dma_start3A_129] : memref<2x128x64xf32, #tpu.memory_space<vmem>> -> memref<1x128x64xf32, #tpu.memory_space<vmem>>
          %dma_start3A_131 = tpu.memref_squeeze %dma_start3A_130 : memref<1x128x64xf32, #tpu.memory_space<vmem>> -> memref<128x64xf32, #tpu.memory_space<vmem>>
          %dma_start3A_132 = arith.constant 0 : i32
          %dma_start3A_133 = tpu.memref_slice %arg7[%mul3A_125, %dma_start3A_132] : memref<50048x64xf32, #tpu.memory_space<hbm>> -> memref<128x64xf32, #tpu.memory_space<hbm>>
          %dma_start3A_134 = arith.constant 0 : i32
          %dma_start3A_135 = tpu.memref_slice %arg7[%mul3A_125, %dma_start3A_134] : memref<50048x64xf32, #tpu.memory_space<hbm>> -> memref<128x64xf32, #tpu.memory_space<hbm>>
          %dma_start3A_136 = arith.constant 0 : i32
          %dma_start3A_137 = arith.constant 0 : i32
          %dma_start3A_138 = tpu.memref_slice %arg11[%run_scoped3A_126, %dma_start3A_136, %dma_start3A_137] : memref<2x128x64xf32, #tpu.memory_space<vmem>> -> memref<1x128x64xf32, #tpu.memory_space<vmem>>
          %dma_start3A_139 = tpu.memref_squeeze %dma_start3A_138 : memref<1x128x64xf32, #tpu.memory_space<vmem>> -> memref<128x64xf32, #tpu.memory_space<vmem>>
          tpu.enqueue_dma source(%dma_start3A_139 : memref<128x64xf32, #tpu.memory_space<vmem>>) target(%dma_start3A_135 : memref<128x64xf32, #tpu.memory_space<hbm>>) target_semaphore(%run_scoped3A_128 : memref<!tpu.dma_semaphore, #tpu.memory_space<semaphore_mem>>)
          %dma_wait3A_140 = arith.constant 0 : i32
          %dma_wait3A_141 = arith.constant 0 : i32
          %dma_wait3A_142 = tpu.memref_slice %arg11[%run_scoped3A_126, %dma_wait3A_140, %dma_wait3A_141] : memref<2x128x64xf32, #tpu.memory_space<vmem>> -> memref<1x128x64xf32, #tpu.memory_space<vmem>>
          %dma_wait3A_143 = tpu.memref_squeeze %dma_wait3A_142 : memref<1x128x64xf32, #tpu.memory_space<vmem>> -> memref<128x64xf32, #tpu.memory_space<vmem>>
          %dma_wait3A_144 = arith.constant 0 : i32
          %dma_wait3A_145 = tpu.memref_slice %arg7[%mul3A_125, %dma_wait3A_144] : memref<50048x64xf32, #tpu.memory_space<hbm>> -> memref<128x64xf32, #tpu.memory_space<hbm>>
          %dma_wait3A_146 = arith.constant 0 : i32
          %dma_wait3A_147 = tpu.memref_slice %arg7[%mul3A_125, %dma_wait3A_146] : memref<50048x64xf32, #tpu.memory_space<hbm>> -> memref<128x64xf32, #tpu.memory_space<hbm>>
          %dma_wait3A_148 = arith.constant 0 : i32
          %dma_wait3A_149 = arith.constant 0 : i32
          %dma_wait3A_150 = tpu.memref_slice %arg11[%run_scoped3A_126, %dma_wait3A_148, %dma_wait3A_149] : memref<2x128x64xf32, #tpu.memory_space<vmem>> -> memref<1x128x64xf32, #tpu.memory_space<vmem>>
          %dma_wait3A_151 = tpu.memref_squeeze %dma_wait3A_150 : memref<1x128x64xf32, #tpu.memory_space<vmem>> -> memref<128x64xf32, #tpu.memory_space<vmem>>
          tpu.wait_dma2 semaphore(%run_scoped3A_128 : memref<!tpu.dma_semaphore, #tpu.memory_space<semaphore_mem>>) src(%dma_wait3A_151 : memref<128x64xf32, #tpu.memory_space<vmem>>) dst(%dma_wait3A_147 : memref<128x64xf32, #tpu.memory_space<hbm>>)
          tpu.yield
        }) : () -> ()
        %run_scoped3A_127 = arith.constant 1 : i32
        "tpu.region"() ({
          %run_scoped3A_128 = tpu.sem_alloc : memref<!tpu.dma_semaphore, #tpu.memory_space<semaphore_mem>>
          %dma_start3A = arith.constant 0 : i32
          %dma_start3A_129 = arith.constant 0 : i32
          %dma_start3A_130 = tpu.memref_slice %arg12[%run_scoped3A_127, %dma_start3A, %dma_start3A_129] : memref<2x128x16xf32, #tpu.memory_space<vmem>> -> memref<1x128x16xf32, #tpu.memory_space<vmem>>
          %dma_start3A_131 = tpu.memref_squeeze %dma_start3A_130 : memref<1x128x16xf32, #tpu.memory_space<vmem>> -> memref<128x16xf32, #tpu.memory_space<vmem>>
          %dma_start3A_132 = arith.constant 0 : i32
          %dma_start3A_133 = tpu.memref_slice %arg8[%mul3A_125, %dma_start3A_132] : memref<50048x16xf32, #tpu.memory_space<hbm>> -> memref<128x16xf32, #tpu.memory_space<hbm>>
          %dma_start3A_134 = arith.constant 0 : i32
          %dma_start3A_135 = tpu.memref_slice %arg8[%mul3A_125, %dma_start3A_134] : memref<50048x16xf32, #tpu.memory_space<hbm>> -> memref<128x16xf32, #tpu.memory_space<hbm>>
          %dma_start3A_136 = arith.constant 0 : i32
          %dma_start3A_137 = arith.constant 0 : i32
          %dma_start3A_138 = tpu.memref_slice %arg12[%run_scoped3A_127, %dma_start3A_136, %dma_start3A_137] : memref<2x128x16xf32, #tpu.memory_space<vmem>> -> memref<1x128x16xf32, #tpu.memory_space<vmem>>
          %dma_start3A_139 = tpu.memref_squeeze %dma_start3A_138 : memref<1x128x16xf32, #tpu.memory_space<vmem>> -> memref<128x16xf32, #tpu.memory_space<vmem>>
          tpu.enqueue_dma source(%dma_start3A_139 : memref<128x16xf32, #tpu.memory_space<vmem>>) target(%dma_start3A_135 : memref<128x16xf32, #tpu.memory_space<hbm>>) target_semaphore(%run_scoped3A_128 : memref<!tpu.dma_semaphore, #tpu.memory_space<semaphore_mem>>)
          %dma_wait3A_140 = arith.constant 0 : i32
          %dma_wait3A_141 = arith.constant 0 : i32
          %dma_wait3A_142 = tpu.memref_slice %arg12[%run_scoped3A_127, %dma_wait3A_140, %dma_wait3A_141] : memref<2x128x16xf32, #tpu.memory_space<vmem>> -> memref<1x128x16xf32, #tpu.memory_space<vmem>>
          %dma_wait3A_143 = tpu.memref_squeeze %dma_wait3A_142 : memref<1x128x16xf32, #tpu.memory_space<vmem>> -> memref<128x16xf32, #tpu.memory_space<vmem>>
          %dma_wait3A_144 = arith.constant 0 : i32
          %dma_wait3A_145 = tpu.memref_slice %arg8[%mul3A_125, %dma_wait3A_144] : memref<50048x16xf32, #tpu.memory_space<hbm>> -> memref<128x16xf32, #tpu.memory_space<hbm>>
          %dma_wait3A_146 = arith.constant 0 : i32
          %dma_wait3A_147 = tpu.memref_slice %arg8[%mul3A_125, %dma_wait3A_146] : memref<50048x16xf32, #tpu.memory_space<hbm>> -> memref<128x16xf32, #tpu.memory_space<hbm>>
          %dma_wait3A_148 = arith.constant 0 : i32
          %dma_wait3A_149 = arith.constant 0 : i32
          %dma_wait3A_150 = tpu.memref_slice %arg12[%run_scoped3A_127, %dma_wait3A_148, %dma_wait3A_149] : memref<2x128x16xf32, #tpu.memory_space<vmem>> -> memref<1x128x16xf32, #tpu.memory_space<vmem>>
          %dma_wait3A_151 = tpu.memref_squeeze %dma_wait3A_150 : memref<1x128x16xf32, #tpu.memory_space<vmem>> -> memref<128x16xf32, #tpu.memory_space<vmem>>
          tpu.wait_dma2 semaphore(%run_scoped3A_128 : memref<!tpu.dma_semaphore, #tpu.memory_space<semaphore_mem>>) src(%dma_wait3A_151 : memref<128x16xf32, #tpu.memory_space<vmem>>) dst(%dma_wait3A_147 : memref<128x16xf32, #tpu.memory_space<hbm>>)
          tpu.yield
        }) : () -> ()
      } else {
      }
      %while3A_79 = arith.constant 0 : i32
      scf.yield %while3A_79 : i32
    }
    return
  }
}

</mosaic_0001>

<sc_bundles>
// kernel: _pass0.3.cloned.1.call-start
scs
__scs_entry_jumppad:
0x0: {  	(pc) =	sbr.rel $0x88, $3  }
0x1: {  	(tag) =	ssettag $0x0;
	lr =	simm.s32 $0x1  }
0x2: {  	[smem:$0x3F9D] =	sst lr;
	_ =	strace $0xD0000000  }
0x3: {  	_ = 	snop  }
0x4: {  	_ = 	snop  }
0x5: {  	_ = 	snop  }
0x6: {  	_ = 	snop  }
0x7: {  	_ = 	snop  }
__scs_overlays_trampoline_lowered:
0x8: {  	[smem:$0x3FAC] =	sst s0  }
0x9: {  	[smem:$0x3FAD] =	sst s1  }
0xa: {  	[smem:$0x3FAE] =	sst s2  }
0xb: {  	[smem:$0x3FAF] =	sst s3  }
0xc: {  	[smem:$0x3FB0] =	sst s4  }
0xd: {  	[smem:$0x3FB1] =	sst s5  }
0xe: {  	[smem:$0x3FB2] =	sst s6  }
0xf: {  	[smem:$0x3FB3] =	sst s7  }
0x10: {  	[smem:$0x3FB4] =	sst s8  }
0x11: {  	[smem:$0x3FB5] =	sst s9;
	s0 =	simm.s32 @!p0 $0x0  }
0x12: {  	s1 =	sld [smem:$0x3F9B];
	s0 =	simm.s32 @p0 $0x1  }
0x13: {  	[smem:$0x3FB6] =	sst s0;
	s0 =	simm.s32 @!p1 $0x0  }
0x14: {  	s2 =	sld [smem:$0x3F9A];
	s0 =	simm.s32 @p1 $0x1  }
0x15: {  	[smem:$0x3FB7] =	sst s0;
	s0 =	simm.s32 @!p2 $0x0  }
0x16: {  	s3 =	sld [smem:$0x3FDB];
	s0 =	simm.s32 @p2 $0x1  }
0x17: {  	s4 =	simm.s32 $0x1BF5;
	[smem:$0x3FB9] =	sst s0  }
0x18: {  	s0 =	sld [smem:$0x3F9C];
	_ =	swait.ge [sflag:s4], $0x0  }
0x19: {  	s7 =	sld [smem:$0x3F9D]  }
0x1a: {  	s8 =	sadd.s32 $0xFFFFE003, lr  }
0x1b: {  	s9 =	sadd.s32 $0xFFFFFEF7, lr;
	s5 =	simm.s32 $0xFFFFFFFF;
	p2 =	slt.u32 s8, $0xFFFFF086  }
0x1c: {  	p1 =	slt.u32 s9, $0xF7A;
	s5 =	simm.s32 @!p2 $0x0  }
0x1d: {  	s5 =	simm.s32 @p1 $0x1;
	p0 =	seq.s32 s7, s2  }
0x1e: {  	s7 =	smul.u32 @!p0 $0xF7A, s2;
	p2 =	seq.s32 @!p0 s5, $0x0  }
0x1f: {  	s9 =	smul.u32 $0xF7A, s1;
	s8 =	simm.s32 @!p0 $0x1BF5;
	p2 =	por !p2, p0  }
0x20: {  	[sflag:s8] =	ssyncset.s32 @!p0 $0xFFFFF086;
	s6 =	sadd.s32 @!p0 s3, s7;
	s7 =	simm.s32 @!p0 $0x108  }
0x21: {  	s3 =	sadd.s32 s3, s9;
	s6 =	sadd.s32 @!p0 $0x88, s6;
	s7 =	simm.s32 @p2 $0x1082  }
0x22: {  	[simem:s7], [sflag:s8] =	dma.local @!p0 [hbm:s6], $0xF7A  }
0x23: {  	s9 =	sor.u32 $0xD0000000, s2;
	s6 =	simm.s32 $0x108;
	_ =	swait.ge @!p0 [sflag:s8], $0x0  }
0x24: {  	s3 =	sadd.s32 $0x88, s3;
	s6 =	simm.s32 @!p1 $0x1082;
	[sflag:s4] =	ssyncset.s32 $0xFFFFF086  }
0x25: {  	[simem:s6], [sflag:s4] =	dma.local [hbm:s3], $0xF7A  }
0x26: {  	[smem:$0x3F9D] =	sst s1;
	(tag) =	ssettag s2;
	_ =	strace s9  }
0x27: {  	s1 =	sld [smem:$0x3FAD]  }
0x28: {  	s2 =	sld [smem:$0x3FAE]  }
0x29: {  	s4 =	sld [smem:$0x3FB0]  }
0x2a: {  	p0 =	seq.s32 s5, $0x0;
	s5 =	sld [smem:$0x3FB1]  }
0x2b: {  	s6 =	sld [smem:$0x3FB2]  }
0x2c: {  	s7 =	sld [smem:$0x3FB3]  }
0x2d: {  	s3 =	simm.s32 $0x108;
	s8 =	sld [smem:$0x3FB4]  }
0x2e: {  	s3 =	simm.s32 @!p0 $0x1082;
	s9 =	sld [smem:$0x3FB5]  }
0x2f: {  	lr =	sadd.s32 s0, s3;
	s0 =	sld [smem:$0x3FAC]  }
0x30: {  	s3 =	sld [smem:$0x3FAF]  }
0x31: {  	[smem:$0x3FB8] =	sst s10  }
0x32: {  	s10 =	sld [smem:$0x3FB6];
	_ =	sdelay $0x3  }
0x33: {  	p0 =	seq.s32 s10, $0x1;
	s10 =	sld [smem:$0x3FB8];
	_ =	sdelay $0x3  }
0x34: {  	[smem:$0x3FB8] =	sst s10  }
0x35: {  	s10 =	sld [smem:$0x3FB7];
	_ =	sdelay $0x3  }
0x36: {  	p1 =	seq.s32 s10, $0x1;
	s10 =	sld [smem:$0x3FB8];
	_ =	sdelay $0x3  }
0x37: {  	[smem:$0x3FB8] =	sst s10  }
0x38: {  	s10 =	sld [smem:$0x3FB9]  }
0x39: {  	_ = 	snop;
	(pc) =	sbr.ind lr, $3  }
0x3a: {  	_ = 	snop  }
0x3b: {  	_ = 	snop  }
0x3c: {  	p2 =	seq.s32 s10, $0x1;
	s10 =	sld [smem:$0x3FB8]  }
0x3d: {  	_ =	shalt  }
0x3e: {  	_ =	shalt  }
0x3f: {  	_ =	shalt  }
0x40: {  	_ =	shalt  }
0x41: {  	_ =	shalt  }
0x42: {  	_ =	shalt  }
0x43: {  	_ =	shalt  }
0x44: {  	_ =	shalt  }
0x45: {  	_ =	shalt  }
0x46: {  	_ =	shalt  }
0x47: {  	_ =	shalt  }
0x48: {  	_ =	shalt  }
0x49: {  	_ =	shalt  }
0x4a: {  	_ =	shalt  }
0x4b: {  	_ =	shalt  }
0x4c: {  	_ =	shalt  }
0x4d: {  	_ =	shalt  }
0x4e: {  	_ =	shalt  }
0x4f: {  	_ =	shalt  }
0x50: {  	_ =	shalt  }
0x51: {  	_ =	shalt  }
0x52: {  	_ =	shalt  }
0x53: {  	_ =	shalt  }
0x54: {  	_ =	shalt  }
0x55: {  	_ =	shalt  }
0x56: {  	_ =	shalt  }
0x57: {  	_ =	shalt  }
0x58: {  	_ =	shalt  }
0x59: {  	_ =	shalt  }
0x5a: {  	_ =	shalt  }
0x5b: {  	_ =	shalt  }
0x5c: {  	_ =	shalt  }
0x5d: {  	_ =	shalt  }
0x5e: {  	_ =	shalt  }
0x5f: {  	_ =	shalt  }
0x60: {  	_ =	shalt  }
0x61: {  	_ =	shalt  }
0x62: {  	_ =	shalt  }
0x63: {  	_ =	shalt  }
0x64: {  	_ =	shalt  }
0x65: {  	_ =	shalt  }
0x66: {  	_ =	shalt  }
0x67: {  	_ =	shalt  }
0x68: {  	_ =	shalt  }
0x69: {  	_ =	shalt  }
0x6a: {  	_ =	shalt  }
0x6b: {  	_ =	shalt  }
0x6c: {  	_ =	shalt  }
0x6d: {  	_ =	shalt  }
0x6e: {  	_ =	shalt  }
0x6f: {  	_ =	shalt  }
0x70: {  	_ =	shalt  }
0x71: {  	_ =	shalt  }
0x72: {  	_ =	shalt  }
0x73: {  	_ =	shalt  }
0x74: {  	_ =	shalt  }
0x75: {  	_ =	shalt  }
0x76: {  	_ =	shalt  }
0x77: {  	_ =	shalt  }
0x78: {  	_ =	shalt  }
0x79: {  	_ =	shalt  }
0x7a: {  	_ =	shalt  }
0x7b: {  	_ =	shalt  }
0x7c: {  	_ =	shalt  }
0x7d: {  	_ =	shalt  }
0x7e: {  	_ =	shalt  }
0x7f: {  	_ =	shalt  }
0x80: {  	_ =	shalt  }
0x81: {  	_ =	shalt  }
0x82: {  	_ =	shalt  }
0x83: {  	_ =	shalt  }
0x84: {  	_ =	shalt  }
0x85: {  	_ =	shalt  }
0x86: {  	_ =	shalt  }
0x87: {  	_ =	shalt  }
.Lfunc_end0:
.L_simem_size_0:
called_computation_lowered:
.L_overlay_start_0:
0x88: {  	s2 =	sld [smem:$0x3FD9]  }
0x89: {  	s3 =	sld [smem:$0x3FFE];
	_ =	sdelay $0x1  }
0x8a: {  	s1 =	srdreg.scid  }
0x8b: {  	s0 =	sand.u32 $0x1, s1  }
0x8c: {  	s14 =	sshll.u32 s0, $0xA;
	s2 =	sadd.s32 s3, s2  }
0x8d: {  	s2 =	sadd.s32 s2, s14  }
0x8e: {  	[smem:$0x3FC4] =	sst s2  }
0x8f: {  	_ = 	snop  }
0x90: {  	s2 =	sld [smem:$0x3FD0];
	_ =	sdelay $0x2  }
0x91: {  	s4 =	simm.s32 $0xA;
	s5 =	simm.s32 $0x10;
	s15 =	sld [smem:$0x3FC9]  }
0x92: {  	[smem:s5], [sflag:s4] =	dma.local [hbm:s2], $0x1  }
0x93: {  	_ =	swait.eq [sflag:s4], $0x1  }
0x94: {  	s16 =	sld [smem:$0x10];
	[sflag:s4] =	ssyncset.done $0x0  }
0x95: {  	s17 =	sld [smem:$0x11];
	[sflag:s4] =	ssyncadd.s32 $0xFFFFFFFF  }
0x96: {  	s18 =	sld [smem:$0x12];
	(tm) =	ssettm $0x1  }
0x97: {  	s6 =	sld [smem:$0x3FFB];
	_ =	sdelay $0x3  }
0x98: {  	_ =	strace s6  }
0x99: {  	s6 =	sld [smem:$0x3FFC];
	_ =	sdelay $0x3  }
0x9a: {  	_ =	strace s6  }
0x9b: {  	s6 =	sld [smem:$0x3FFD];
	_ =	sdelay $0x3  }
0x9c: {  	_ =	strace s6  }
0x9d: {  	_ =	strace $0x8FFFFFFF  }
0x9e: {  	s19 =	sld [smem:$0x3FDB];
	_ =	sdelay $0x1  }
0x9f: {  	s7 =	simm.s32 $_scs_section_size  }
0xa0: {  	s8 =	simm.s32 $_size__tile_overlayer_lowered;
	s9 =	simm.s32 $_tile_overlayer_lowered  }
0xa1: {  	s22 =	simm.s32 $0x1BFF;
	s21 =	sshll.u32 s9, $0x1;
	s6 =	sadd.s32 s7, s19  }
0xa2: {  	s10 =	simm.s32 $0x0;
	s20 =	sshll.u32 s8, $0x1;
	s8 =	sadd.s32 s21, s6  }
0xa3: {  	[timem:s10], [sflag:s22] =	dma.local [hbm:s8], s20  }
0xa4: {  	_ =	swait.ge [sflag:s22], s20  }
0xa5: {  	s7 =	ssub.s32 $0x0, s20;
	[sflag:s22] =	ssyncset.done $0x0  }
0xa6: {  	[sflag:s22] =	ssyncadd.s32 s7;
	_ =	sdelay $0x1  }
0xa7: {  	s23 =	simm.s32 $0x1B8B  }
0xa8: {  	_ =	swait.ge [sflag:s23], $0x1  }
0xa9: {  	[sflag:s23] =	ssyncset.done $0x0  }
0xaa: {  	s25 =	simm.s32 $0x1B8E;
	s24 =	sld [smem:$0x3FFE];
	[sflag:s23] =	ssyncadd.s32 $0xFFFFFFFF  }
0xab: {  	s26 =	simm.s32 $execute0_lowered;
	[smem:$0x3FD2] =	sst s25  }
0xac: {  	s8 =	sshll.u32 s26, $0x1;
	_ =	strace $0x80000046;
	[dreg:$0x1] =	wrdreg $0xFFFFFFFF  }
0xad: {  	s28 =	simm.s32 $_size_execute0_lowered;
	s6 =	sadd.s32 s6, s8;
	[dreg:$0x0] =	wrdreg $0x0  }
0xae: {  	s8 =	sshll.u32 s28, $0x1;
	[dreg:$0x2] =	wrdreg s6  }
0xaf: {  	[dreg:$0x3] =	wrdreg s8  }
0xb0: {  	[dreg:$0x4] =	wrdreg $0xC0  }
0xb1: {  	_ =	task [dreg:s10], $0x5FFFF  }
0xb2: {  	[dreg:$0x1] =	wrdreg $0xFFFFFFFF  }
0xb3: {  	[dreg:$0x0] =	wrdreg $0x60  }
0xb4: {  	[dreg:$0x2] =	wrdreg s15  }
0xb5: {  	[dreg:$0x3] =	wrdreg s24  }
0xb6: {  	[dreg:$0x4] =	wrdreg s16  }
0xb7: {  	[dreg:$0x5] =	wrdreg s17  }
0xb8: {  	[dreg:$0x6] =	wrdreg s18  }
0xb9: {  	[dreg:$0x7] =	wrdreg $0x9  }
0xba: {  	_ =	task.clear_ibuf [dreg:s10], $0x8FFFF;
	_ =	strace $0x90000046  }
0xbb: {  	s29 =	simm.s32 $0x9;
	_ =	strace $0x80000048  }
0xbc: {  	_ =	swait.ge [sflag:s29], $0x1  }
0xbd: {  	[sflag:s29] =	ssyncadd.s32 $0xFFFFFFFF  }
0xbe: {  	_ =	strace $0x90000048  }
0xbf: {  	_ =	sfence  }
0xc0: {  	s30 =	sld [smem:$0x0];
	_ =	sdelay $0x2  }
0xc1: {  	s31 =	sshll.u32 s1, $0xD;
	s1 =	sshrl.u32 s1, $0x2  }
0xc2: {  	s3 =	sand.u32 $0x4000, s31;
	s1 =	sadd.s32 s1, s30  }
0xc3: {  	s0 =	sor.u32 s3, s0;
	s1 =	sshll.u32 s1, $0x11  }
0xc4: {  	s0 =	sor.u32 s1, s0  }
0xc5: {  	s0 =	sadd.s32 $0x8F2B, s0  }
0xc6: {  	[sflag:s0] =	ssyncadd.remote.s32 $0x1  }
0xc7: {  	_ =	sfence.sel $0xFFFF  }
0xc8: {  	[dreg:$0x0] =	wrdreg $0xFFFFFFFF;
	(pc) =	sbr.abs _section_cstart, $3  }
0xc9: {  	[dreg:$0x1] =	wrdreg $0xFFFFFFFF  }
0xca: {  	_ =	task.clear_ibuf [dreg:s10], $0x2FFFF;
	_ =	strace $0x9FFFFFFF  }
0xcb: {  	(tm) =	ssettm $0x7FFFFFFF  }
tec
execute0_lowered:
.L_overlay_start_1:
0x0: {  	(tag) =	ssettag $0x1  }
0x1: {  	s1 =	rddreg [dreg:$0x0]  }
0x2: {  	s9 =	rddreg [dreg:$0x1]  }
0x3: {  	s2 =	rddreg [dreg:$0x2]  }
0x4: {  	s3 =	rddreg [dreg:$0x3]  }
0x5: {  	s5 =	rddreg [dreg:$0x4]  }
0x6: {  	s0 =	rddreg [dreg:$0x5];
	s6 =	simm.s32 $0x0;
	s7 =	srdreg.scid  }
0x7: {  	s4 =	stileid.u32;
	s20 =	simm.s32 $0x8100;
	s21 =	simm.s32 $0x0  }
0x8: {  	[smem:$0x7FF] =	sst s6;
	s13 =	sand.u32 $0x1, s7;
	s28 =	sshll.u32 s4, $0x1  }
0x9: {  	s7 =	sadd.s32 $0xA00, s9;
	s8 =	sadd.s32 $0xE00, s9;
	s9 =	sadd.s32 $0x1200, s9  }
0xa: {  	s30 =	sshll.u32 s4, $0xB;
	s16 =	sshll.u32 s4, $0x8;
	s18 =	sshll.u32 s4, $0x9  }
0xb: {  	_ =	strace $0x80000047;
	s11 =	sor.u32 s13, s28;
	s12 =	ssub.s32 $0x2, s13  }
0xc: {  	s31 =	sshll.u32 s13, $0xA;
	s17 =	sshll.u32 s13, $0x7;
	s19 =	sshll.u32 s13, $0x8  }
0xd: {  	s10 =	ssub.s32 $0x1A6, s11;
	s14 =	sshrl.u32 s12, $0x1;
	s11 =	sshll.u32 s11, $0x4  }
0xe: {  	s16 =	sor.u32 s17, s16;
	s13 =	sor.u32 s31, s30;
	s17 =	simm.s32 $0x80  }
0xf: {  	s10 =	sshrl.u32 s10, $0x5;
	s12 =	ssub.s32 s12, s14;
	s11 =	sadd.s32 s1, s11  }
0x10: {  	s14 =	sor.u32 s19, s18;
	s18 =	simm.s32 $0x100;
	s15 =	sadd.s32 $0x1, s10  }
0x11: {  	s19 =	simm.s32 $0x4100;
	s12 =	smax.u32 s12, $0x1;
	s29 =	sand.u32 $0xE, s15  }
0x12: {  	s15 =	sor.u32 $0x1000, s16;
	s16 =	simm.s32 $0x3;
	[dreg:$0x6] =	wrdreg s29  }
.LBB2_1:
0x13: {  	[tilespmem:s6], [sflag:$0x3] =	stream.linear.gather [hbm4b:s11+s6], $0x80, $0x38;
	[tilespmem:$0x9100] =	vst v63  }
0x14: {  	_ =	swait.ge [sflag:s16], $0x80  }
0x15: {  	[sflag:s16] =	ssyncset.done $0x0  }
0x16: {  	[sflag:s16] =	ssyncadd.s32 $0xFFFFFF80  }
0x17: {  	[tilespmem:s18], [sflag:$0x1] =	stream.indirect.gather [hbm4b:s7+s17], $0x40, s6, s17, $0xb8;
	[tilespmem:$0x9100] =	vst v63  }
0x18: {  	s22 =	smov.u32 s15  }
0x19: {  	[tilespmem:s19], [sflag:$0x1] =	stream.indirect.gather [hbm4b:s8+s17], $0x40, s6, s17, $0xb8;
	[tilespmem:$0x9100] =	vst v63  }
0x1a: {  	s23 =	smov.u32 s14;
	s24 =	smov.u32 s13;
	s25 =	simm.s32 $0x0  }
0x1b: {  	[tilespmem:s20], [sflag:$0x1] =	stream.indirect.gather [hbm4b:s9+s17], $0x10, s6, s17, $0xb8;
	[tilespmem:$0x9100] =	vst v63  }
.LBB2_2:
0x1c: {  	p1 =	sge.u32 s25, s10;
	s26 =	sadd.s32 $0x1, s25  }
0x1d: {  	p0 =	sge.u32 @!p1 s26, s10  }
0x1e: {  	p0 =	por p0, p1  }
0x1f: {  	s28 =	sshrl.u32 @!p0 s22, $0x3  }
0x20: {  	s29 =	simm.s32 @!p0 $0x0;
	s30 =	simm.s32 @!p0 $0x80;
	s28 =	sadd.s32 @!p0 s1, s28  }
0x21: {  	[tilespmem:s30], [sflag:$0x4] =	stream.linear.gather @!p0 [hbm4b:s28+s29], $0x80, $0x38;
	[tilespmem:$0x9100] =	vst v63  }
0x22: {  	s28 =	simm.s32 @!p0 $0x4  }
0x23: {  	_ =	swait.ge @!p0 [sflag:s28], $0x80  }
0x24: {  	[sflag:s28] =	ssyncset.done @!p0 $0x0  }
0x25: {  	[sflag:s28] =	ssyncadd.s32 @!p0 $0xFFFFFF80;
	s28 =	simm.s32 @!p0 $0x2100  }
0x26: {  	[tilespmem:s28], [sflag:$0x2] =	stream.indirect.gather @!p0 [hbm4b:s7+s30], $0x40, s30, s30, $0xb8;
	[tilespmem:$0x9100] =	vst v63  }
0x27: {  	s28 =	simm.s32 @!p0 $0x6100  }
0x28: {  	[tilespmem:s28], [sflag:$0x2] =	stream.indirect.gather @!p0 [hbm4b:s8+s30], $0x40, s30, s30, $0xb8;
	[tilespmem:$0x9100] =	vst v63  }
0x29: {  	s28 =	simm.s32 @!p0 $0x8900  }
0x2a: {  	[tilespmem:s28], [sflag:$0x2] =	stream.indirect.gather @!p0 [hbm4b:s9+s30], $0x10, s30, s30, $0xb8;
	[tilespmem:$0x9100] =	vst v63  }
0x2b: {  	s28 =	simm.s32 @!p1 $0x1  }
0x2c: {  	_ =	swait.ge @!p1 [sflag:s28], $0x2000  }
0x2d: {  	[sflag:s28] =	ssyncset.done @!p1 $0x0  }
0x2e: {  	[sflag:s28] =	ssyncadd.s32 @!p1 $0xFFFFE000  }
0x2f: {  	_ =	swait.ge @!p1 [sflag:s28], $0x2000  }
0x30: {  	[sflag:s28] =	ssyncset.done @!p1 $0x0  }
0x31: {  	[sflag:s28] =	ssyncadd.s32 @!p1 $0xFFFFE000  }
0x32: {  	_ =	swait.ge @!p1 [sflag:s28], $0x800  }
0x33: {  	[sflag:s28] =	ssyncset.done @!p1 $0x0  }
0x34: {  	[sflag:s28] =	ssyncadd.s32 @!p1 $0xFFFFF800;
	s28 =	sand.u32 @!p1 $0x1FFFFC00, s24  }
0x35: {  	s31 =	simm.s32 @!p1 $0x100;
	s30 =	simm.s32 @!p1 $0x0;
	s29 =	sadd.s32 @!p1 s2, s28  }
0x36: {  	[hbm4b:s29+s30] =	stream.linear.scatter @!p1 [tilespmem:s31], [sflag:$0x4], $0x2000, $0x38;
	[tilespmem:$0x9100] =	vst v63  }
0x37: {  	s29 =	simm.s32 @!p1 $0x4  }
0x38: {  	p0 =	sge.u32 s26, s10;
	_ =	swait.ge @!p1 [sflag:s29], $0x2000  }
0x39: {  	s26 =	sadd.s32 @!p0 $0x2, s25;
	[sflag:s29] =	ssyncset.done @!p1 $0x0  }
0x3a: {  	s28 =	sadd.s32 @!p1 s3, s28;
	s31 =	simm.s32 @!p1 $0x4100;
	[sflag:s29] =	ssyncadd.s32 @!p1 $0xFFFFE000  }
0x3b: {  	[hbm4b:s28+s30] =	stream.linear.scatter @!p1 [tilespmem:s31], [sflag:$0x4], $0x2000, $0x38;
	[tilespmem:$0x9100] =	vst v63  }
0x3c: {  	p2 =	sge.u32 @!p0 s26, s10;
	_ =	swait.ge @!p1 [sflag:s29], $0x2000  }
0x3d: {  	p2 =	por p2, p0;
	s28 =	sand.u32 @!p1 $0x1FFFFF00, s23;
	[sflag:s29] =	ssyncset.done @!p1 $0x0  }
0x3e: {  	s31 =	simm.s32 @!p1 $0x8100;
	s28 =	sadd.s32 @!p1 s5, s28;
	[sflag:s29] =	ssyncadd.s32 @!p1 $0xFFFFE000  }
0x3f: {  	[hbm4b:s28+s30] =	stream.linear.scatter @!p1 [tilespmem:s31], [sflag:$0x4], $0x800, $0x38;
	[tilespmem:$0x9100] =	vst v63  }
0x40: {  	s26 =	sadd.s32 @!p2 $0x1000, s22;
	_ =	swait.ge @!p1 [sflag:s29], $0x800  }
0x41: {  	s26 =	sshrl.u32 @!p2 s26, $0x3;
	[sflag:s29] =	ssyncset.done @!p1 $0x0  }
0x42: {  	s26 =	sadd.s32 @!p2 s1, s26;
	s28 =	simm.s32 @!p2 $0x0;
	[sflag:s29] =	ssyncadd.s32 @!p1 $0xFFFFF800  }
0x43: {  	[tilespmem:s28], [sflag:$0x4] =	stream.linear.gather @!p2 [hbm4b:s26+s28], $0x80, $0x38;
	[tilespmem:$0x9100] =	vst v63  }
0x44: {  	s26 =	simm.s32 @!p2 $0x4  }
0x45: {  	_ =	swait.ge @!p2 [sflag:s26], $0x80  }
0x46: {  	[sflag:s26] =	ssyncset.done @!p2 $0x0  }
0x47: {  	s29 =	simm.s32 @!p2 $0x100;
	[sflag:s26] =	ssyncadd.s32 @!p2 $0xFFFFFF80;
	s26 =	simm.s32 @!p2 $0x80  }
0x48: {  	[tilespmem:s29], [sflag:$0x1] =	stream.indirect.gather @!p2 [hbm4b:s7+s26], $0x40, s28, s26, $0xb8;
	[tilespmem:$0x9100] =	vst v63  }
0x49: {  	s29 =	simm.s32 @!p2 $0x4100  }
0x4a: {  	[tilespmem:s29], [sflag:$0x1] =	stream.indirect.gather @!p2 [hbm4b:s8+s26], $0x40, s28, s26, $0xb8;
	[tilespmem:$0x9100] =	vst v63  }
0x4b: {  	s29 =	simm.s32 @!p2 $0x8100  }
0x4c: {  	[tilespmem:s29], [sflag:$0x1] =	stream.indirect.gather @!p2 [hbm4b:s9+s26], $0x10, s28, s26, $0xb8;
	[tilespmem:$0x9100] =	vst v63  }
0x4d: {  	s26 =	simm.s32 @!p0 $0x2  }
0x4e: {  	_ =	swait.ge @!p0 [sflag:s26], $0x2000  }
0x4f: {  	[sflag:s26] =	ssyncset.done @!p0 $0x0  }
0x50: {  	[sflag:s26] =	ssyncadd.s32 @!p0 $0xFFFFE000  }
0x51: {  	_ =	swait.ge @!p0 [sflag:s26], $0x2000  }
0x52: {  	[sflag:s26] =	ssyncset.done @!p0 $0x0  }
0x53: {  	[sflag:s26] =	ssyncadd.s32 @!p0 $0xFFFFE000  }
0x54: {  	_ =	swait.ge @!p0 [sflag:s26], $0x800  }
0x55: {  	s28 =	sadd.s32 @!p0 $0x8000, s24;
	[sflag:s26] =	ssyncset.done @!p0 $0x0  }
0x56: {  	[sflag:s26] =	ssyncadd.s32 @!p0 $0xFFFFF800;
	s26 =	sand.u32 @!p0 $0x1FFFFC00, s28  }
0x57: {  	s30 =	simm.s32 @!p0 $0x2100;
	s29 =	simm.s32 @!p0 $0x0;
	s28 =	sadd.s32 @!p0 s2, s26  }
0x58: {  	[hbm4b:s28+s29] =	stream.linear.scatter @!p0 [tilespmem:s30], [sflag:$0x4], $0x2000, $0x38;
	[tilespmem:$0x9100] =	vst v63  }
0x59: {  	s28 =	simm.s32 @!p0 $0x4  }
0x5a: {  	_ =	swait.ge @!p0 [sflag:s28], $0x2000  }
0x5b: {  	[sflag:s28] =	ssyncset.done @!p0 $0x0  }
0x5c: {  	s26 =	sadd.s32 @!p0 s3, s26;
	s30 =	simm.s32 @!p0 $0x6100;
	[sflag:s28] =	ssyncadd.s32 @!p0 $0xFFFFE000  }
0x5d: {  	[hbm4b:s26+s29] =	stream.linear.scatter @!p0 [tilespmem:s30], [sflag:$0x4], $0x2000, $0x38;
	[tilespmem:$0x9100] =	vst v63  }
0x5e: {  	s26 =	sadd.s32 @!p0 $0x2000, s23;
	_ =	swait.ge @!p0 [sflag:s28], $0x2000  }
0x5f: {  	s26 =	sand.u32 @!p0 $0x1FFFFF00, s26;
	[sflag:s28] =	ssyncset.done @!p0 $0x0  }
0x60: {  	s26 =	sadd.s32 @!p0 s5, s26;
	[sflag:s28] =	ssyncadd.s32 @!p0 $0xFFFFE000;
	s28 =	simm.s32 @!p0 $0x8900  }
0x61: {  	[hbm4b:s26+s29] =	stream.linear.scatter @!p0 [tilespmem:s28], [sflag:$0x3], $0x800, $0x38;
	[tilespmem:$0x9100] =	vst v63  }
0x62: {  	s26 =	simm.s32 @!p0 $0x3  }
0x63: {  	_ =	swait.ge @!p0 [sflag:s26], $0x800  }
0x64: {  	s25 =	sadd.s32 $0x2, s25;
	s31 =	rddreg [dreg:$0x6];
	[sflag:s26] =	ssyncset.done @!p0 $0x0  }
0x65: {  	[sflag:s26] =	ssyncadd.s32 @!p0 $0xFFFFF800;
	p0 =	sne.s32 s31, s25  }
.Ltmp0:
0x66: {  	_ = 	snop;
	(pc) =	sbr.rel @p0 .LBB2_2-.Ltmp0, $2  }
0x67: {  	_ =	sdelay $0x2  }
0x68: {  	s22 =	sadd.s32 $0x2000, s22;
	s24 =	sadd.s32 $0x10000, s24;
	s23 =	sadd.s32 $0x4000, s23  }
0x69: {  	s21 =	sadd.s32 $0x1, s21  }
0x6a: {  	p0 =	sne.s32 s21, s12  }
.Ltmp1:
0x6b: {  	_ = 	snop;
	(pc) =	sbr.rel @p0 .LBB2_1-.Ltmp1, $1  }
0x6c: {  	_ =	sdelay $0x3  }
0x6d: {  	_ =	sfence.sel $0x180000  }
0x6e: {  	[bflag:$0x0] =	sbarrier.arrive $0xFFFF  }
0x6f: {  	p0 =	sne.s32 s4, $0x0;
	_ =	strace $0x90000047  }
0x70: {  	s0 =	sadd.s32 @!p0 $0x100000, s0;
	[bflag:$0x2] =	sbarrier.arrive $0xFFFF  }
0x71: {  	[sflag:s0] =	ssyncadd.tile.s32 @!p0 $0x1;
	_ =	shalt  }
.Lfunc_end2:
_tile_overlayer_lowered:
.L_overlay_start_2:
0x72: {  	(tag) =	ssettag $0x2  }
0x73: {  	s0 =	rddreg [dreg:$0x0];
	s2 =	stileid.u32  }
0x74: {  	s1 =	rddreg [dreg:$0x1];
	p0 =	sne.s32 s2, $0x0  }
0x75: {  	s3 =	rddreg [dreg:$0x2];
	[bflag:$0x3] =	sbarrier.arrive $0xFFFF;
	s2 =	simm.s32 @!p0 $0x1C03  }
0x76: {  	[timem:s3], [sflag:s2] =	dma.local @!p0 [hbm:s0], s1  }
0x77: {  	s0 =	simm.s32 @!p0 $0x3  }
0x78: {  	_ =	swait.ge @!p0 [sflag:s0], s1  }
0x79: {  	s1 =	ssub.s32 @!p0 $0x0, s1;
	[sflag:s0] =	ssyncset.done @!p0 $0x0  }
0x7a: {  	[sflag:s0] =	ssyncadd.s32 @!p0 s1  }
0x7b: {  	[bflag:$0x3] =	sbarrier.arrive $0xFFFF  }
0x7c: {  	_ =	shalt  }

</sc_bundles>
